<compile_context>
chip_gen: v7x
topology: tpu7x:2x2x1
jax: 0.10.2.dev20260603
libtpu: 0.0.44.dev20260713+nightly
codegen_flags: <defaults>
</compile_context>

<pallas_src>
import functools

import jax
import jax.numpy as jnp
from jax import lax
from jax.experimental import pallas as pl
from jax.experimental.pallas import tpu as pltpu
from jax.experimental.pallas import tpu_sc as plsc

NUM_CORES = 2
NUM_SUBCORES = 16
NUM_TILES = NUM_CORES * NUM_SUBCORES
ROWS_PER_CHUNK = 8
NBUF = 4


@functools.partial(jax.jit, static_argnames=("batch", "seq", "dim"))
def _sc_embed(embed_weight, input_ids, batch, seq, dim):
    rows_per_tile = (batch * seq) // NUM_TILES
    num_chunks = rows_per_tile // ROWS_PER_CHUNK
    tiles_per_batch_row = seq // rows_per_tile
    mesh = plsc.VectorSubcoreMesh(core_axis_name="c", subcore_axis_name="s")

    @functools.partial(
        pl.kernel,
        out_type=jax.ShapeDtypeStruct((batch, seq, dim), jnp.float32),
        mesh=mesh,
        scratch_types=[
            pltpu.VMEM((rows_per_tile,), jnp.int32),
        ]
        + [pltpu.VMEM((ROWS_PER_CHUNK, dim), jnp.float32)] * NBUF
        + [pltpu.SemaphoreType.DMA] * (2 * NBUF),
    )
    def k(table_hbm, idx_hbm, out_hbm, idx_v, *bufs_and_sems):
        bufs = bufs_and_sems[:NBUF]
        gsems = bufs_and_sems[NBUF : 2 * NBUF]
        ssems = bufs_and_sems[2 * NBUF :]
        wid = lax.axis_index("s") * NUM_CORES + lax.axis_index("c")
        b = wid // tiles_per_batch_row
        off = (wid % tiles_per_batch_row) * rows_per_tile
        pltpu.sync_copy(idx_hbm.at[b, pl.ds(off, rows_per_tile)], idx_v)
        R = ROWS_PER_CHUNK

        def fire_gather(c, i):
            pltpu.async_copy(
                table_hbm.at[idx_v.at[pl.ds(c * R, R)]], bufs[i], gsems[i]
            )

        def wait_gather(c, i):
            pltpu.make_async_copy(
                table_hbm.at[idx_v.at[pl.ds(c * R, R)]], bufs[i], gsems[i]
            ).wait()

        def fire_store(c, i):
            pltpu.async_copy(
                bufs[i], out_hbm.at[b, pl.ds(off + c * R, R)], ssems[i]
            )

        def wait_store(c, i):
            pltpu.make_async_copy(
                bufs[i], out_hbm.at[b, pl.ds(off + c * R, R)], ssems[i]
            ).wait()

        fire_gather(0, 0)
        fire_gather(1, 1)
        wait_gather(0, 0)
        fire_store(0, 0)
        fire_gather(2, 2)
        wait_gather(1, 1)
        fire_store(1, 1)
        fire_gather(3, 3)

        @pl.loop(2, num_chunks - 2 - ((num_chunks - 4) % NBUF), step=NBUF)
        def _(j):
            for i in range(NBUF):
                c = j + i
                bi = (2 + i) % NBUF
                wait_gather(c, bi)
                fire_store(c, bi)
                wait_store(c - 2, (bi - 2) % NBUF)
                fire_gather(c + 2, (bi + 2) % NBUF)

        rem_start = num_chunks - 2 - ((num_chunks - 4) % NBUF)
        for c in range(rem_start, num_chunks - 2):
            bi = c % NBUF
            wait_gather(c, bi)
            fire_store(c, bi)
            wait_store(c - 2, (bi - 2) % NBUF)
            fire_gather(c + 2, (bi + 2) % NBUF)

        for c in range(num_chunks - 2, num_chunks):
            bi = c % NBUF
            wait_gather(c, bi)
            fire_store(c, bi)
            wait_store(c - 2, (bi - 2) % NBUF)
        wait_store(num_chunks - 2, (num_chunks - 2) % NBUF)
        wait_store(num_chunks - 1, (num_chunks - 1) % NBUF)

    return k(embed_weight, input_ids)


def kernel(input_ids, embed_weight):
    batch, seq = input_ids.shape
    dim = embed_weight.shape[1]
    return _sc_embed(embed_weight, input_ids, batch, seq, dim)

# --- scband reference (transcript-rebuilt; emitter-appended) ---
"""Pipeline reference for scband-llm-embed-28630251995420 (READ-ONLY COPY).

The authoritative reference and input builder live on the scoring server;
editing this copy changes nothing except your own understanding.
"""

import jax, jax.numpy as jnp
import numpy as np

VOCAB = 151936
EMBED_DIM = 2048
BATCH = 4
SEQ = 2048


def setup_inputs(seed: int = 0) -> dict:
    key = jax.random.key(seed)
    k_ids, k_tab = jax.random.split(key)
    input_ids = jax.random.randint(k_ids, (BATCH, SEQ), 0, VOCAB, dtype=jnp.int32)
    embed_weight = jax.random.normal(k_tab, (VOCAB, EMBED_DIM), dtype=jnp.float32) * 0.02
    return {"input_ids": input_ids, "embed_weight": embed_weight}


def reference(input_ids, embed_weight):
    # Faithful translation of nn.Embedding forward in float32:
    # row-gather from the embedding table by token id.
    return jnp.take(embed_weight, input_ids, axis=0)

if __name__ == "__main__":
    import jax
    _d = setup_inputs()
    print(jax.jit(kernel)(*tuple(_d.values())))

</pallas_src>

<mosaic_0001>
#map = affine_map<(d0, d1) -> (0, 0)>
#map1 = affine_map<(d0, d1) -> (0, 0, 0)>
module attributes {stable_mosaic.version = 14 : i64} {
  func.func @k(%arg0: i32, %arg1: i32, %arg2: memref<151936x2048xf32, #tpu.memory_space<hbm>>, %arg3: memref<4x2048xi32, #tpu.memory_space<hbm>>, %arg4: memref<4x2048x2048xf32, #tpu.memory_space<hbm>>, %arg5: memref<256xi32, #tpu.memory_space<vmem>>, %arg6: memref<8x2048xf32, #tpu.memory_space<vmem>>, %arg7: memref<8x2048xf32, #tpu.memory_space<vmem>>, %arg8: memref<8x2048xf32, #tpu.memory_space<vmem>>, %arg9: memref<8x2048xf32, #tpu.memory_space<vmem>>, %arg10: memref<!tpu.dma_semaphore, #tpu.memory_space<semaphore_mem>>, %arg11: memref<!tpu.dma_semaphore, #tpu.memory_space<semaphore_mem>>, %arg12: memref<!tpu.dma_semaphore, #tpu.memory_space<semaphore_mem>>, %arg13: memref<!tpu.dma_semaphore, #tpu.memory_space<semaphore_mem>>, %arg14: memref<!tpu.dma_semaphore, #tpu.memory_space<semaphore_mem>>, %arg15: memref<!tpu.dma_semaphore, #tpu.memory_space<semaphore_mem>>, %arg16: memref<!tpu.dma_semaphore, #tpu.memory_space<semaphore_mem>>, %arg17: memref<!tpu.dma_semaphore, #tpu.memory_space<semaphore_mem>>) attributes {dimension_semantics = [#tpu.dimension_semantics<core_parallel>, #tpu.dimension_semantics<subcore_parallel>], iteration_bounds = array<i64: 2, 16>, scalar_prefetch = 0 : i64, scratch_operands = 13 : i64, tpu.core_type = #tpu.core_type<sc_vector_subcore>, window_params = [{transform_indices = #map}, {transform_indices = #map}, {transform_indices = #map1}]} {
    %mul3A = arith.constant 2 : i32
    %mul3A_0 = arith.muli %arg1, %mul3A : i32
    %add3A = arith.addi %mul3A_0, %arg0 : i32
    %jit3A = arith.constant 8 : i32
    %div3A = arith.divsi %add3A, %jit3A : i32
    %sign3A = arith.constant 0 : i32
    %sign3A_1 = arith.cmpi sgt, %add3A, %sign3A : i32
    %sign3A_2 = arith.extui %sign3A_1 : i1 to i32
    %sign3A_3 = arith.constant 0 : i32
    %sign3A_4 = arith.cmpi slt, %add3A, %sign3A_3 : i32
    %sign3A_5 = arith.extui %sign3A_4 : i1 to i32
    %sign3A_6 = arith.subi %sign3A_2, %sign3A_5 : i32
    %sign3A_7 = arith.constant 0 : i32
    %sign3A_8 = arith.cmpi sgt, %jit3A, %sign3A_7 : i32
    %sign3A_9 = arith.extui %sign3A_8 : i1 to i32
    %sign3A_10 = arith.constant 0 : i32
    %sign3A_11 = arith.cmpi slt, %jit3A, %sign3A_10 : i32
    %sign3A_12 = arith.extui %sign3A_11 : i1 to i32
    %sign3A_13 = arith.subi %sign3A_9, %sign3A_12 : i32
    %ne3A = arith.cmpi ne, %sign3A_6, %sign3A_13 : i32
    %rem3A = arith.remsi %add3A, %jit3A : i32
    %ne3A_14 = arith.constant 0 : i32
    %ne3A_15 = arith.cmpi ne, %rem3A, %ne3A_14 : i32
    %and3A = arith.andi %ne3A, %ne3A_15 : i1
    %sub3A = arith.constant 1 : i32
    %sub3A_16 = arith.subi %div3A, %sub3A : i32
    %select_n3A = arith.select %and3A, %sub3A_16, %div3A : i32
    %jit3A_17 = arith.constant 8 : i32
    %eq3A = arith.constant 0 : i32
    %eq3A_18 = arith.cmpi eq, %jit3A_17, %eq3A : i32
    %jit3A_19 = arith.constant 1 : i32
    %select_n3A_20 = arith.select %eq3A_18, %jit3A_19, %jit3A_17 : i32
    %rem3A_21 = arith.remsi %add3A, %select_n3A_20 : i32
    %ne3A_22 = arith.constant 0 : i32
    %ne3A_23 = arith.cmpi ne, %rem3A_21, %ne3A_22 : i32
    %lt3A = arith.constant 0 : i32
    %lt3A_24 = arith.cmpi slt, %rem3A_21, %lt3A : i32
    %lt3A_25 = arith.constant 0 : i32
    %lt3A_26 = arith.cmpi slt, %select_n3A_20, %lt3A_25 : i32
    %ne3A_27 = arith.xori %lt3A_24, %lt3A_26 : i1
    %and3A_28 = arith.andi %ne3A_27, %ne3A_23 : i1
    %add3A_29 = arith.addi %rem3A_21, %select_n3A_20 : i32
    %select_n3A_30 = arith.select %and3A_28, %add3A_29, %rem3A_21 : i32
    %mul3A_31 = arith.constant 256 : i32
    %mul3A_32 = arith.muli %select_n3A_30, %mul3A_31 : i32
    "tpu.region"() ({
      %run_scoped3A = tpu.sem_alloc : memref<!tpu.dma_semaphore, #tpu.memory_space<semaphore_mem>>
      %dma_start3A_139 = tpu.memref_slice %arg3[%select_n3A, %mul3A_32] : memref<4x2048xi32, #tpu.memory_space<hbm>> -> memref<1x256xi32, #tpu.memory_space<hbm>>
      %dma_start3A_140 = tpu.memref_squeeze %dma_start3A_139 : memref<1x256xi32, #tpu.memory_space<hbm>> -> memref<256xi32, #tpu.memory_space<hbm>>
      %dma_start3A_141 = tpu.memref_slice %arg3[%select_n3A, %mul3A_32] : memref<4x2048xi32, #tpu.memory_space<hbm>> -> memref<1x256xi32, #tpu.memory_space<hbm>>
      %dma_start3A_142 = tpu.memref_squeeze %dma_start3A_141 : memref<1x256xi32, #tpu.memory_space<hbm>> -> memref<256xi32, #tpu.memory_space<hbm>>
      tpu.enqueue_dma source(%dma_start3A_142 : memref<256xi32, #tpu.memory_space<hbm>>) target(%arg5 : memref<256xi32, #tpu.memory_space<vmem>>) target_semaphore(%run_scoped3A : memref<!tpu.dma_semaphore, #tpu.memory_space<semaphore_mem>>)
      %dma_wait3A_143 = tpu.memref_slice %arg3[%select_n3A, %mul3A_32] : memref<4x2048xi32, #tpu.memory_space<hbm>> -> memref<1x256xi32, #tpu.memory_space<hbm>>
      %dma_wait3A_144 = tpu.memref_squeeze %dma_wait3A_143 : memref<1x256xi32, #tpu.memory_space<hbm>> -> memref<256xi32, #tpu.memory_space<hbm>>
      %dma_wait3A_145 = tpu.memref_slice %arg3[%select_n3A, %mul3A_32] : memref<4x2048xi32, #tpu.memory_space<hbm>> -> memref<1x256xi32, #tpu.memory_space<hbm>>
      %dma_wait3A_146 = tpu.memref_squeeze %dma_wait3A_145 : memref<1x256xi32, #tpu.memory_space<hbm>> -> memref<256xi32, #tpu.memory_space<hbm>>
      tpu.wait_dma2 semaphore(%run_scoped3A : memref<!tpu.dma_semaphore, #tpu.memory_space<semaphore_mem>>) src(%dma_wait3A_146 : memref<256xi32, #tpu.memory_space<hbm>>) dst(%arg5 : memref<256xi32, #tpu.memory_space<vmem>>)
      tpu.yield
    }) : () -> ()
    %dma_start3A = arith.constant 0 : i32
    %dma_start3A_33 = tpu.memref_slice %arg5[%dma_start3A] : memref<256xi32, #tpu.memory_space<vmem>> -> memref<8xi32, #tpu.memory_space<vmem>>
    %dma_start3A_34 = arith.constant 0 : i32
    %dma_start3A_35 = arith.constant 0 : i32
    %dma_start3A_36 = tpu.memref_slice %arg2[%dma_start3A_34, %dma_start3A_35] : memref<151936x2048xf32, #tpu.memory_space<hbm>> -> memref<151936x2048xf32, #tpu.memory_space<hbm>>
    tpu.enqueue_indirect_dma source(%dma_start3A_36 : memref<151936x2048xf32, #tpu.memory_space<hbm>>) target(%arg6 : memref<8x2048xf32, #tpu.memory_space<vmem>>) offsets(%dma_start3A_33 : memref<8xi32, #tpu.memory_space<vmem>>) semaphore(%arg10 : memref<!tpu.dma_semaphore, #tpu.memory_space<semaphore_mem>>)
    %dma_start3A_37 = arith.constant 8 : i32
    %dma_start3A_38 = tpu.memref_slice %arg5[%dma_start3A_37] : memref<256xi32, #tpu.memory_space<vmem>> -> memref<8xi32, #tpu.memory_space<vmem>>
    %dma_start3A_39 = arith.constant 0 : i32
    %dma_start3A_40 = arith.constant 0 : i32
    %dma_start3A_41 = tpu.memref_slice %arg2[%dma_start3A_39, %dma_start3A_40] : memref<151936x2048xf32, #tpu.memory_space<hbm>> -> memref<151936x2048xf32, #tpu.memory_space<hbm>>
    tpu.enqueue_indirect_dma source(%dma_start3A_41 : memref<151936x2048xf32, #tpu.memory_space<hbm>>) target(%arg7 : memref<8x2048xf32, #tpu.memory_space<vmem>>) offsets(%dma_start3A_38 : memref<8xi32, #tpu.memory_space<vmem>>) semaphore(%arg11 : memref<!tpu.dma_semaphore, #tpu.memory_space<semaphore_mem>>)
    %dma_wait3A = arith.constant 0 : i32
    %dma_wait3A_42 = tpu.memref_slice %arg5[%dma_wait3A] : memref<256xi32, #tpu.memory_space<vmem>> -> memref<8xi32, #tpu.memory_space<vmem>>
    %dma_wait3A_43 = arith.constant 0 : i32
    %dma_wait3A_44 = arith.constant 0 : i32
    %dma_wait3A_45 = tpu.memref_slice %arg2[%dma_wait3A_43, %dma_wait3A_44] : memref<151936x2048xf32, #tpu.memory_space<hbm>> -> memref<151936x2048xf32, #tpu.memory_space<hbm>>
    tpu.wait_indirect_dma semaphore(%arg10 : memref<!tpu.dma_semaphore, #tpu.memory_space<semaphore_mem>>) src(%dma_wait3A_45 : memref<151936x2048xf32, #tpu.memory_space<hbm>>) dst(%arg6 : memref<8x2048xf32, #tpu.memory_space<vmem>>)
    %add3A_46 = arith.constant 0 : i32
    %add3A_47 = arith.addi %mul3A_32, %add3A_46 : i32
    %dma_start3A_48 = arith.constant 0 : i32
    %dma_start3A_49 = tpu.memref_slice %arg4[%select_n3A, %add3A_47, %dma_start3A_48] : memref<4x2048x2048xf32, #tpu.memory_space<hbm>> -> memref<1x8x2048xf32, #tpu.memory_space<hbm>>
    %dma_start3A_50 = tpu.memref_squeeze %dma_start3A_49 : memref<1x8x2048xf32, #tpu.memory_space<hbm>> -> memref<8x2048xf32, #tpu.memory_space<hbm>>
    %dma_start3A_51 = arith.constant 0 : i32
    %dma_start3A_52 = tpu.memref_slice %arg4[%select_n3A, %add3A_47, %dma_start3A_51] : memref<4x2048x2048xf32, #tpu.memory_space<hbm>> -> memref<1x8x2048xf32, #tpu.memory_space<hbm>>
    %dma_start3A_53 = tpu.memref_squeeze %dma_start3A_52 : memref<1x8x2048xf32, #tpu.memory_space<hbm>> -> memref<8x2048xf32, #tpu.memory_space<hbm>>
    tpu.enqueue_dma source(%arg6 : memref<8x2048xf32, #tpu.memory_space<vmem>>) target(%dma_start3A_53 : memref<8x2048xf32, #tpu.memory_space<hbm>>) target_semaphore(%arg14 : memref<!tpu.dma_semaphore, #tpu.memory_space<semaphore_mem>>)
    %dma_start3A_54 = arith.constant 16 : i32
    %dma_start3A_55 = tpu.memref_slice %arg5[%dma_start3A_54] : memref<256xi32, #tpu.memory_space<vmem>> -> memref<8xi32, #tpu.memory_space<vmem>>
    %dma_start3A_56 = arith.constant 0 : i32
    %dma_start3A_57 = arith.constant 0 : i32
    %dma_start3A_58 = tpu.memref_slice %arg2[%dma_start3A_56, %dma_start3A_57] : memref<151936x2048xf32, #tpu.memory_space<hbm>> -> memref<151936x2048xf32, #tpu.memory_space<hbm>>
    tpu.enqueue_indirect_dma source(%dma_start3A_58 : memref<151936x2048xf32, #tpu.memory_space<hbm>>) target(%arg8 : memref<8x2048xf32, #tpu.memory_space<vmem>>) offsets(%dma_start3A_55 : memref<8xi32, #tpu.memory_space<vmem>>) semaphore(%arg12 : memref<!tpu.dma_semaphore, #tpu.memory_space<semaphore_mem>>)
    %dma_wait3A_59 = arith.constant 8 : i32
    %dma_wait3A_60 = tpu.memref_slice %arg5[%dma_wait3A_59] : memref<256xi32, #tpu.memory_space<vmem>> -> memref<8xi32, #tpu.memory_space<vmem>>
    %dma_wait3A_61 = arith.constant 0 : i32
    %dma_wait3A_62 = arith.constant 0 : i32
    %dma_wait3A_63 = tpu.memref_slice %arg2[%dma_wait3A_61, %dma_wait3A_62] : memref<151936x2048xf32, #tpu.memory_space<hbm>> -> memref<151936x2048xf32, #tpu.memory_space<hbm>>
    tpu.wait_indirect_dma semaphore(%arg11 : memref<!tpu.dma_semaphore, #tpu.memory_space<semaphore_mem>>) src(%dma_wait3A_63 : memref<151936x2048xf32, #tpu.memory_space<hbm>>) dst(%arg7 : memref<8x2048xf32, #tpu.memory_space<vmem>>)
    %add3A_64 = arith.constant 8 : i32
    %add3A_65 = arith.addi %mul3A_32, %add3A_64 : i32
    %dma_start3A_66 = arith.constant 0 : i32
    %dma_start3A_67 = tpu.memref_slice %arg4[%select_n3A, %add3A_65, %dma_start3A_66] : memref<4x2048x2048xf32, #tpu.memory_space<hbm>> -> memref<1x8x2048xf32, #tpu.memory_space<hbm>>
    %dma_start3A_68 = tpu.memref_squeeze %dma_start3A_67 : memref<1x8x2048xf32, #tpu.memory_space<hbm>> -> memref<8x2048xf32, #tpu.memory_space<hbm>>
    %dma_start3A_69 = arith.constant 0 : i32
    %dma_start3A_70 = tpu.memref_slice %arg4[%select_n3A, %add3A_65, %dma_start3A_69] : memref<4x2048x2048xf32, #tpu.memory_space<hbm>> -> memref<1x8x2048xf32, #tpu.memory_space<hbm>>
    %dma_start3A_71 = tpu.memref_squeeze %dma_start3A_70 : memref<1x8x2048xf32, #tpu.memory_space<hbm>> -> memref<8x2048xf32, #tpu.memory_space<hbm>>
    tpu.enqueue_dma source(%arg7 : memref<8x2048xf32, #tpu.memory_space<vmem>>) target(%dma_start3A_71 : memref<8x2048xf32, #tpu.memory_space<hbm>>) target_semaphore(%arg15 : memref<!tpu.dma_semaphore, #tpu.memory_space<semaphore_mem>>)
    %dma_start3A_72 = arith.constant 24 : i32
    %dma_start3A_73 = tpu.memref_slice %arg5[%dma_start3A_72] : memref<256xi32, #tpu.memory_space<vmem>> -> memref<8xi32, #tpu.memory_space<vmem>>
    %dma_start3A_74 = arith.constant 0 : i32
    %dma_start3A_75 = arith.constant 0 : i32
    %dma_start3A_76 = tpu.memref_slice %arg2[%dma_start3A_74, %dma_start3A_75] : memref<151936x2048xf32, #tpu.memory_space<hbm>> -> memref<151936x2048xf32, #tpu.memory_space<hbm>>
    tpu.enqueue_indirect_dma source(%dma_start3A_76 : memref<151936x2048xf32, #tpu.memory_space<hbm>>) target(%arg9 : memref<8x2048xf32, #tpu.memory_space<vmem>>) offsets(%dma_start3A_73 : memref<8xi32, #tpu.memory_space<vmem>>) semaphore(%arg13 : memref<!tpu.dma_semaphore, #tpu.memory_space<semaphore_mem>>)
    %scan3A = arith.constant 0 : i32
    %scan3A_77 = arith.constant 7 : i32
    %scan3A_78 = arith.addi %scan3A, %scan3A_77 : i32
    %scan3A_79 = arith.constant 1 : i32
    scf.for %scan3A_139 = %scan3A to %scan3A_78 step %scan3A_79  : i32 {
      %mul3A_140 = arith.constant 4 : i32
      %mul3A_141 = arith.muli %scan3A_139, %mul3A_140 : i32
      %add3A_142 = arith.constant 2 : i32
      %add3A_143 = arith.addi %add3A_142, %mul3A_141 : i32
      %add3A_144 = arith.constant 0 : i32
      %add3A_145 = arith.addi %add3A_143, %add3A_144 : i32
      %mul3A_146 = arith.constant 8 : i32
      %mul3A_147 = arith.muli %add3A_145, %mul3A_146 : i32
      %dma_wait3A_148 = tpu.memref_slice %arg5[%mul3A_147] : memref<256xi32, #tpu.memory_space<vmem>> -> memref<8xi32, #tpu.memory_space<vmem>>
      %dma_wait3A_149 = arith.constant 0 : i32
      %dma_wait3A_150 = arith.constant 0 : i32
      %dma_wait3A_151 = tpu.memref_slice %arg2[%dma_wait3A_149, %dma_wait3A_150] : memref<151936x2048xf32, #tpu.memory_space<hbm>> -> memref<151936x2048xf32, #tpu.memory_space<hbm>>
      tpu.wait_indirect_dma semaphore(%arg12 : memref<!tpu.dma_semaphore, #tpu.memory_space<semaphore_mem>>) src(%dma_wait3A_151 : memref<151936x2048xf32, #tpu.memory_space<hbm>>) dst(%arg8 : memref<8x2048xf32, #tpu.memory_space<vmem>>)
      %mul3A_152 = arith.constant 8 : i32
      %mul3A_153 = arith.muli %add3A_145, %mul3A_152 : i32
      %add3A_154 = arith.addi %mul3A_32, %mul3A_153 : i32
      %dma_start3A_155 = arith.constant 0 : i32
      %dma_start3A_156 = tpu.memref_slice %arg4[%select_n3A, %add3A_154, %dma_start3A_155] : memref<4x2048x2048xf32, #tpu.memory_space<hbm>> -> memref<1x8x2048xf32, #tpu.memory_space<hbm>>
      %dma_start3A_157 = tpu.memref_squeeze %dma_start3A_156 : memref<1x8x2048xf32, #tpu.memory_space<hbm>> -> memref<8x2048xf32, #tpu.memory_space<hbm>>
      %dma_start3A_158 = arith.constant 0 : i32
      %dma_start3A_159 = tpu.memref_slice %arg4[%select_n3A, %add3A_154, %dma_start3A_158] : memref<4x2048x2048xf32, #tpu.memory_space<hbm>> -> memref<1x8x2048xf32, #tpu.memory_space<hbm>>
      %dma_start3A_160 = tpu.memref_squeeze %dma_start3A_159 : memref<1x8x2048xf32, #tpu.memory_space<hbm>> -> memref<8x2048xf32, #tpu.memory_space<hbm>>
      tpu.enqueue_dma source(%arg8 : memref<8x2048xf32, #tpu.memory_space<vmem>>) target(%dma_start3A_160 : memref<8x2048xf32, #tpu.memory_space<hbm>>) target_semaphore(%arg16 : memref<!tpu.dma_semaphore, #tpu.memory_space<semaphore_mem>>)
      %sub3A_161 = arith.constant 2 : i32
      %sub3A_162 = arith.subi %add3A_145, %sub3A_161 : i32
      %mul3A_163 = arith.constant 8 : i32
      %mul3A_164 = arith.muli %sub3A_162, %mul3A_163 : i32
      %add3A_165 = arith.addi %mul3A_32, %mul3A_164 : i32
      %dma_wait3A_166 = arith.constant 0 : i32
      %dma_wait3A_167 = tpu.memref_slice %arg4[%select_n3A, %add3A_165, %dma_wait3A_166] : memref<4x2048x2048xf32, #tpu.memory_space<hbm>> -> memref<1x8x2048xf32, #tpu.memory_space<hbm>>
      %dma_wait3A_168 = tpu.memref_squeeze %dma_wait3A_167 : memref<1x8x2048xf32, #tpu.memory_space<hbm>> -> memref<8x2048xf32, #tpu.memory_space<hbm>>
      %dma_wait3A_169 = arith.constant 0 : i32
      %dma_wait3A_170 = tpu.memref_slice %arg4[%select_n3A, %add3A_165, %dma_wait3A_169] : memref<4x2048x2048xf32, #tpu.memory_space<hbm>> -> memref<1x8x2048xf32, #tpu.memory_space<hbm>>
      %dma_wait3A_171 = tpu.memref_squeeze %dma_wait3A_170 : memref<1x8x2048xf32, #tpu.memory_space<hbm>> -> memref<8x2048xf32, #tpu.memory_space<hbm>>
      tpu.wait_dma2 semaphore(%arg14 : memref<!tpu.dma_semaphore, #tpu.memory_space<semaphore_mem>>) src(%arg6 : memref<8x2048xf32, #tpu.memory_space<vmem>>) dst(%dma_wait3A_171 : memref<8x2048xf32, #tpu.memory_space<hbm>>)
      %add3A_172 = arith.constant 2 : i32
      %add3A_173 = arith.addi %add3A_145, %add3A_172 : i32
      %mul3A_174 = arith.constant 8 : i32
      %mul3A_175 = arith.muli %add3A_173, %mul3A_174 : i32
      %dma_start3A_176 = tpu.memref_slice %arg5[%mul3A_175] : memref<256xi32, #tpu.memory_space<vmem>> -> memref<8xi32, #tpu.memory_space<vmem>>
      %dma_start3A_177 = arith.constant 0 : i32
      %dma_start3A_178 = arith.constant 0 : i32
      %dma_start3A_179 = tpu.memref_slice %arg2[%dma_start3A_177, %dma_start3A_178] : memref<151936x2048xf32, #tpu.memory_space<hbm>> -> memref<151936x2048xf32, #tpu.memory_space<hbm>>
      tpu.enqueue_indirect_dma source(%dma_start3A_179 : memref<151936x2048xf32, #tpu.memory_space<hbm>>) target(%arg6 : memref<8x2048xf32, #tpu.memory_space<vmem>>) offsets(%dma_start3A_176 : memref<8xi32, #tpu.memory_space<vmem>>) semaphore(%arg10 : memref<!tpu.dma_semaphore, #tpu.memory_space<semaphore_mem>>)
      %add3A_180 = arith.constant 1 : i32
      %add3A_181 = arith.addi %add3A_143, %add3A_180 : i32
      %mul3A_182 = arith.constant 8 : i32
      %mul3A_183 = arith.muli %add3A_181, %mul3A_182 : i32
      %dma_wait3A_184 = tpu.memref_slice %arg5[%mul3A_183] : memref<256xi32, #tpu.memory_space<vmem>> -> memref<8xi32, #tpu.memory_space<vmem>>
      %dma_wait3A_185 = arith.constant 0 : i32
      %dma_wait3A_186 = arith.constant 0 : i32
      %dma_wait3A_187 = tpu.memref_slice %arg2[%dma_wait3A_185, %dma_wait3A_186] : memref<151936x2048xf32, #tpu.memory_space<hbm>> -> memref<151936x2048xf32, #tpu.memory_space<hbm>>
      tpu.wait_indirect_dma semaphore(%arg13 : memref<!tpu.dma_semaphore, #tpu.memory_space<semaphore_mem>>) src(%dma_wait3A_187 : memref<151936x2048xf32, #tpu.memory_space<hbm>>) dst(%arg9 : memref<8x2048xf32, #tpu.memory_space<vmem>>)
      %mul3A_188 = arith.constant 8 : i32
      %mul3A_189 = arith.muli %add3A_181, %mul3A_188 : i32
      %add3A_190 = arith.addi %mul3A_32, %mul3A_189 : i32
      %dma_start3A_191 = arith.constant 0 : i32
      %dma_start3A_192 = tpu.memref_slice %arg4[%select_n3A, %add3A_190, %dma_start3A_191] : memref<4x2048x2048xf32, #tpu.memory_space<hbm>> -> memref<1x8x2048xf32, #tpu.memory_space<hbm>>
      %dma_start3A_193 = tpu.memref_squeeze %dma_start3A_192 : memref<1x8x2048xf32, #tpu.memory_space<hbm>> -> memref<8x2048xf32, #tpu.memory_space<hbm>>
      %dma_start3A_194 = arith.constant 0 : i32
      %dma_start3A_195 = tpu.memref_slice %arg4[%select_n3A, %add3A_190, %dma_start3A_194] : memref<4x2048x2048xf32, #tpu.memory_space<hbm>> -> memref<1x8x2048xf32, #tpu.memory_space<hbm>>
      %dma_start3A_196 = tpu.memref_squeeze %dma_start3A_195 : memref<1x8x2048xf32, #tpu.memory_space<hbm>> -> memref<8x2048xf32, #tpu.memory_space<hbm>>
      tpu.enqueue_dma source(%arg9 : memref<8x2048xf32, #tpu.memory_space<vmem>>) target(%dma_start3A_196 : memref<8x2048xf32, #tpu.memory_space<hbm>>) target_semaphore(%arg17 : memref<!tpu.dma_semaphore, #tpu.memory_space<semaphore_mem>>)
      %sub3A_197 = arith.constant 2 : i32
      %sub3A_198 = arith.subi %add3A_181, %sub3A_197 : i32
      %mul3A_199 = arith.constant 8 : i32
      %mul3A_200 = arith.muli %sub3A_198, %mul3A_199 : i32
      %add3A_201 = arith.addi %mul3A_32, %mul3A_200 : i32
      %dma_wait3A_202 = arith.constant 0 : i32
      %dma_wait3A_203 = tpu.memref_slice %arg4[%select_n3A, %add3A_201, %dma_wait3A_202] : memref<4x2048x2048xf32, #tpu.memory_space<hbm>> -> memref<1x8x2048xf32, #tpu.memory_space<hbm>>
      %dma_wait3A_204 = tpu.memref_squeeze %dma_wait3A_203 : memref<1x8x2048xf32, #tpu.memory_space<hbm>> -> memref<8x2048xf32, #tpu.memory_space<hbm>>
      %dma_wait3A_205 = arith.constant 0 : i32
      %dma_wait3A_206 = tpu.memref_slice %arg4[%select_n3A, %add3A_201, %dma_wait3A_205] : memref<4x2048x2048xf32, #tpu.memory_space<hbm>> -> memref<1x8x2048xf32, #tpu.memory_space<hbm>>
      %dma_wait3A_207 = tpu.memref_squeeze %dma_wait3A_206 : memref<1x8x2048xf32, #tpu.memory_space<hbm>> -> memref<8x2048xf32, #tpu.memory_space<hbm>>
      tpu.wait_dma2 semaphore(%arg15 : memref<!tpu.dma_semaphore, #tpu.memory_space<semaphore_mem>>) src(%arg7 : memref<8x2048xf32, #tpu.memory_space<vmem>>) dst(%dma_wait3A_207 : memref<8x2048xf32, #tpu.memory_space<hbm>>)
      %add3A_208 = arith.constant 2 : i32
      %add3A_209 = arith.addi %add3A_181, %add3A_208 : i32
      %mul3A_210 = arith.constant 8 : i32
      %mul3A_211 = arith.muli %add3A_209, %mul3A_210 : i32
      %dma_start3A_212 = tpu.memref_slice %arg5[%mul3A_211] : memref<256xi32, #tpu.memory_space<vmem>> -> memref<8xi32, #tpu.memory_space<vmem>>
      %dma_start3A_213 = arith.constant 0 : i32
      %dma_start3A_214 = arith.constant 0 : i32
      %dma_start3A_215 = tpu.memref_slice %arg2[%dma_start3A_213, %dma_start3A_214] : memref<151936x2048xf32, #tpu.memory_space<hbm>> -> memref<151936x2048xf32, #tpu.memory_space<hbm>>
      tpu.enqueue_indirect_dma source(%dma_start3A_215 : memref<151936x2048xf32, #tpu.memory_space<hbm>>) target(%arg7 : memref<8x2048xf32, #tpu.memory_space<vmem>>) offsets(%dma_start3A_212 : memref<8xi32, #tpu.memory_space<vmem>>) semaphore(%arg11 : memref<!tpu.dma_semaphore, #tpu.memory_space<semaphore_mem>>)
      %add3A_216 = arith.constant 2 : i32
      %add3A_217 = arith.addi %add3A_143, %add3A_216 : i32
      %mul3A_218 = arith.constant 8 : i32
      %mul3A_219 = arith.muli %add3A_217, %mul3A_218 : i32
      %dma_wait3A_220 = tpu.memref_slice %arg5[%mul3A_219] : memref<256xi32, #tpu.memory_space<vmem>> -> memref<8xi32, #tpu.memory_space<vmem>>
      %dma_wait3A_221 = arith.constant 0 : i32
      %dma_wait3A_222 = arith.constant 0 : i32
      %dma_wait3A_223 = tpu.memref_slice %arg2[%dma_wait3A_221, %dma_wait3A_222] : memref<151936x2048xf32, #tpu.memory_space<hbm>> -> memref<151936x2048xf32, #tpu.memory_space<hbm>>
      tpu.wait_indirect_dma semaphore(%arg10 : memref<!tpu.dma_semaphore, #tpu.memory_space<semaphore_mem>>) src(%dma_wait3A_223 : memref<151936x2048xf32, #tpu.memory_space<hbm>>) dst(%arg6 : memref<8x2048xf32, #tpu.memory_space<vmem>>)
      %mul3A_224 = arith.constant 8 : i32
      %mul3A_225 = arith.muli %add3A_217, %mul3A_224 : i32
      %add3A_226 = arith.addi %mul3A_32, %mul3A_225 : i32
      %dma_start3A_227 = arith.constant 0 : i32
      %dma_start3A_228 = tpu.memref_slice %arg4[%select_n3A, %add3A_226, %dma_start3A_227] : memref<4x2048x2048xf32, #tpu.memory_space<hbm>> -> memref<1x8x2048xf32, #tpu.memory_space<hbm>>
      %dma_start3A_229 = tpu.memref_squeeze %dma_start3A_228 : memref<1x8x2048xf32, #tpu.memory_space<hbm>> -> memref<8x2048xf32, #tpu.memory_space<hbm>>
      %dma_start3A_230 = arith.constant 0 : i32
      %dma_start3A_231 = tpu.memref_slice %arg4[%select_n3A, %add3A_226, %dma_start3A_230] : memref<4x2048x2048xf32, #tpu.memory_space<hbm>> -> memref<1x8x2048xf32, #tpu.memory_space<hbm>>
      %dma_start3A_232 = tpu.memref_squeeze %dma_start3A_231 : memref<1x8x2048xf32, #tpu.memory_space<hbm>> -> memref<8x2048xf32, #tpu.memory_space<hbm>>
      tpu.enqueue_dma source(%arg6 : memref<8x2048xf32, #tpu.memory_space<vmem>>) target(%dma_start3A_232 : memref<8x2048xf32, #tpu.memory_space<hbm>>) target_semaphore(%arg14 : memref<!tpu.dma_semaphore, #tpu.memory_space<semaphore_mem>>)
      %sub3A_233 = arith.constant 2 : i32
      %sub3A_234 = arith.subi %add3A_217, %sub3A_233 : i32
      %mul3A_235 = arith.constant 8 : i32
      %mul3A_236 = arith.muli %sub3A_234, %mul3A_235 : i32
      %add3A_237 = arith.addi %mul3A_32, %mul3A_236 : i32
      %dma_wait3A_238 = arith.constant 0 : i32
      %dma_wait3A_239 = tpu.memref_slice %arg4[%select_n3A, %add3A_237, %dma_wait3A_238] : memref<4x2048x2048xf32, #tpu.memory_space<hbm>> -> memref<1x8x2048xf32, #tpu.memory_space<hbm>>
      %dma_wait3A_240 = tpu.memref_squeeze %dma_wait3A_239 : memref<1x8x2048xf32, #tpu.memory_space<hbm>> -> memref<8x2048xf32, #tpu.memory_space<hbm>>
      %dma_wait3A_241 = arith.constant 0 : i32
      %dma_wait3A_242 = tpu.memref_slice %arg4[%select_n3A, %add3A_237, %dma_wait3A_241] : memref<4x2048x2048xf32, #tpu.memory_space<hbm>> -> memref<1x8x2048xf32, #tpu.memory_space<hbm>>
      %dma_wait3A_243 = tpu.memref_squeeze %dma_wait3A_242 : memref<1x8x2048xf32, #tpu.memory_space<hbm>> -> memref<8x2048xf32, #tpu.memory_space<hbm>>
      tpu.wait_dma2 semaphore(%arg16 : memref<!tpu.dma_semaphore, #tpu.memory_space<semaphore_mem>>) src(%arg8 : memref<8x2048xf32, #tpu.memory_space<vmem>>) dst(%dma_wait3A_243 : memref<8x2048xf32, #tpu.memory_space<hbm>>)
      %add3A_244 = arith.constant 2 : i32
      %add3A_245 = arith.addi %add3A_217, %add3A_244 : i32
      %mul3A_246 = arith.constant 8 : i32
      %mul3A_247 = arith.muli %add3A_245, %mul3A_246 : i32
      %dma_start3A_248 = tpu.memref_slice %arg5[%mul3A_247] : memref<256xi32, #tpu.memory_space<vmem>> -> memref<8xi32, #tpu.memory_space<vmem>>
      %dma_start3A_249 = arith.constant 0 : i32
      %dma_start3A_250 = arith.constant 0 : i32
      %dma_start3A_251 = tpu.memref_slice %arg2[%dma_start3A_249, %dma_start3A_250] : memref<151936x2048xf32, #tpu.memory_space<hbm>> -> memref<151936x2048xf32, #tpu.memory_space<hbm>>
      tpu.enqueue_indirect_dma source(%dma_start3A_251 : memref<151936x2048xf32, #tpu.memory_space<hbm>>) target(%arg8 : memref<8x2048xf32, #tpu.memory_space<vmem>>) offsets(%dma_start3A_248 : memref<8xi32, #tpu.memory_space<vmem>>) semaphore(%arg12 : memref<!tpu.dma_semaphore, #tpu.memory_space<semaphore_mem>>)
      %add3A_252 = arith.constant 3 : i32
      %add3A_253 = arith.addi %add3A_143, %add3A_252 : i32
      %mul3A_254 = arith.constant 8 : i32
      %mul3A_255 = arith.muli %add3A_253, %mul3A_254 : i32
      %dma_wait3A_256 = tpu.memref_slice %arg5[%mul3A_255] : memref<256xi32, #tpu.memory_space<vmem>> -> memref<8xi32, #tpu.memory_space<vmem>>
      %dma_wait3A_257 = arith.constant 0 : i32
      %dma_wait3A_258 = arith.constant 0 : i32
      %dma_wait3A_259 = tpu.memref_slice %arg2[%dma_wait3A_257, %dma_wait3A_258] : memref<151936x2048xf32, #tpu.memory_space<hbm>> -> memref<151936x2048xf32, #tpu.memory_space<hbm>>
      tpu.wait_indirect_dma semaphore(%arg11 : memref<!tpu.dma_semaphore, #tpu.memory_space<semaphore_mem>>) src(%dma_wait3A_259 : memref<151936x2048xf32, #tpu.memory_space<hbm>>) dst(%arg7 : memref<8x2048xf32, #tpu.memory_space<vmem>>)
      %mul3A_260 = arith.constant 8 : i32
      %mul3A_261 = arith.muli %add3A_253, %mul3A_260 : i32
      %add3A_262 = arith.addi %mul3A_32, %mul3A_261 : i32
      %dma_start3A_263 = arith.constant 0 : i32
      %dma_start3A_264 = tpu.memref_slice %arg4[%select_n3A, %add3A_262, %dma_start3A_263] : memref<4x2048x2048xf32, #tpu.memory_space<hbm>> -> memref<1x8x2048xf32, #tpu.memory_space<hbm>>
      %dma_start3A_265 = tpu.memref_squeeze %dma_start3A_264 : memref<1x8x2048xf32, #tpu.memory_space<hbm>> -> memref<8x2048xf32, #tpu.memory_space<hbm>>
      %dma_start3A_266 = arith.constant 0 : i32
      %dma_start3A_267 = tpu.memref_slice %arg4[%select_n3A, %add3A_262, %dma_start3A_266] : memref<4x2048x2048xf32, #tpu.memory_space<hbm>> -> memref<1x8x2048xf32, #tpu.memory_space<hbm>>
      %dma_start3A_268 = tpu.memref_squeeze %dma_start3A_267 : memref<1x8x2048xf32, #tpu.memory_space<hbm>> -> memref<8x2048xf32, #tpu.memory_space<hbm>>
      tpu.enqueue_dma source(%arg7 : memref<8x2048xf32, #tpu.memory_space<vmem>>) target(%dma_start3A_268 : memref<8x2048xf32, #tpu.memory_space<hbm>>) target_semaphore(%arg15 : memref<!tpu.dma_semaphore, #tpu.memory_space<semaphore_mem>>)
      %sub3A_269 = arith.constant 2 : i32
      %sub3A_270 = arith.subi %add3A_253, %sub3A_269 : i32
      %mul3A_271 = arith.constant 8 : i32
      %mul3A_272 = arith.muli %sub3A_270, %mul3A_271 : i32
      %add3A_273 = arith.addi %mul3A_32, %mul3A_272 : i32
      %dma_wait3A_274 = arith.constant 0 : i32
      %dma_wait3A_275 = tpu.memref_slice %arg4[%select_n3A, %add3A_273, %dma_wait3A_274] : memref<4x2048x2048xf32, #tpu.memory_space<hbm>> -> memref<1x8x2048xf32, #tpu.memory_space<hbm>>
      %dma_wait3A_276 = tpu.memref_squeeze %dma_wait3A_275 : memref<1x8x2048xf32, #tpu.memory_space<hbm>> -> memref<8x2048xf32, #tpu.memory_space<hbm>>
      %dma_wait3A_277 = arith.constant 0 : i32
      %dma_wait3A_278 = tpu.memref_slice %arg4[%select_n3A, %add3A_273, %dma_wait3A_277] : memref<4x2048x2048xf32, #tpu.memory_space<hbm>> -> memref<1x8x2048xf32, #tpu.memory_space<hbm>>
      %dma_wait3A_279 = tpu.memref_squeeze %dma_wait3A_278 : memref<1x8x2048xf32, #tpu.memory_space<hbm>> -> memref<8x2048xf32, #tpu.memory_space<hbm>>
      tpu.wait_dma2 semaphore(%arg17 : memref<!tpu.dma_semaphore, #tpu.memory_space<semaphore_mem>>) src(%arg9 : memref<8x2048xf32, #tpu.memory_space<vmem>>) dst(%dma_wait3A_279 : memref<8x2048xf32, #tpu.memory_space<hbm>>)
      %add3A_280 = arith.constant 2 : i32
      %add3A_281 = arith.addi %add3A_253, %add3A_280 : i32
      %mul3A_282 = arith.constant 8 : i32
      %mul3A_283 = arith.muli %add3A_281, %mul3A_282 : i32
      %dma_start3A_284 = tpu.memref_slice %arg5[%mul3A_283] : memref<256xi32, #tpu.memory_space<vmem>> -> memref<8xi32, #tpu.memory_space<vmem>>
      %dma_start3A_285 = arith.constant 0 : i32
      %dma_start3A_286 = arith.constant 0 : i32
      %dma_start3A_287 = tpu.memref_slice %arg2[%dma_start3A_285, %dma_start3A_286] : memref<151936x2048xf32, #tpu.memory_space<hbm>> -> memref<151936x2048xf32, #tpu.memory_space<hbm>>
      tpu.enqueue_indirect_dma source(%dma_start3A_287 : memref<151936x2048xf32, #tpu.memory_space<hbm>>) target(%arg9 : memref<8x2048xf32, #tpu.memory_space<vmem>>) offsets(%dma_start3A_284 : memref<8xi32, #tpu.memory_space<vmem>>) semaphore(%arg13 : memref<!tpu.dma_semaphore, #tpu.memory_space<semaphore_mem>>)
    }
    %scan3A_80 = arith.constant 7 : i32
    %dma_wait3A_81 = arith.constant 240 : i32
    %dma_wait3A_82 = tpu.memref_slice %arg5[%dma_wait3A_81] : memref<256xi32, #tpu.memory_space<vmem>> -> memref<8xi32, #tpu.memory_space<vmem>>
    %dma_wait3A_83 = arith.constant 0 : i32
    %dma_wait3A_84 = arith.constant 0 : i32
    %dma_wait3A_85 = tpu.memref_slice %arg2[%dma_wait3A_83, %dma_wait3A_84] : memref<151936x2048xf32, #tpu.memory_space<hbm>> -> memref<151936x2048xf32, #tpu.memory_space<hbm>>
    tpu.wait_indirect_dma semaphore(%arg12 : memref<!tpu.dma_semaphore, #tpu.memory_space<semaphore_mem>>) src(%dma_wait3A_85 : memref<151936x2048xf32, #tpu.memory_space<hbm>>) dst(%arg8 : memref<8x2048xf32, #tpu.memory_space<vmem>>)
    %add3A_86 = arith.constant 240 : i32
    %add3A_87 = arith.addi %mul3A_32, %add3A_86 : i32
    %dma_start3A_88 = arith.constant 0 : i32
    %dma_start3A_89 = tpu.memref_slice %arg4[%select_n3A, %add3A_87, %dma_start3A_88] : memref<4x2048x2048xf32, #tpu.memory_space<hbm>> -> memref<1x8x2048xf32, #tpu.memory_space<hbm>>
    %dma_start3A_90 = tpu.memref_squeeze %dma_start3A_89 : memref<1x8x2048xf32, #tpu.memory_space<hbm>> -> memref<8x2048xf32, #tpu.memory_space<hbm>>
    %dma_start3A_91 = arith.constant 0 : i32
    %dma_start3A_92 = tpu.memref_slice %arg4[%select_n3A, %add3A_87, %dma_start3A_91] : memref<4x2048x2048xf32, #tpu.memory_space<hbm>> -> memref<1x8x2048xf32, #tpu.memory_space<hbm>>
    %dma_start3A_93 = tpu.memref_squeeze %dma_start3A_92 : memref<1x8x2048xf32, #tpu.memory_space<hbm>> -> memref<8x2048xf32, #tpu.memory_space<hbm>>
    tpu.enqueue_dma source(%arg8 : memref<8x2048xf32, #tpu.memory_space<vmem>>) target(%dma_start3A_93 : memref<8x2048xf32, #tpu.memory_space<hbm>>) target_semaphore(%arg16 : memref<!tpu.dma_semaphore, #tpu.memory_space<semaphore_mem>>)
    %add3A_94 = arith.constant 224 : i32
    %add3A_95 = arith.addi %mul3A_32, %add3A_94 : i32
    %dma_wait3A_96 = arith.constant 0 : i32
    %dma_wait3A_97 = tpu.memref_slice %arg4[%select_n3A, %add3A_95, %dma_wait3A_96] : memref<4x2048x2048xf32, #tpu.memory_space<hbm>> -> memref<1x8x2048xf32, #tpu.memory_space<hbm>>
    %dma_wait3A_98 = tpu.memref_squeeze %dma_wait3A_97 : memref<1x8x2048xf32, #tpu.memory_space<hbm>> -> memref<8x2048xf32, #tpu.memory_space<hbm>>
    %dma_wait3A_99 = arith.constant 0 : i32
    %dma_wait3A_100 = tpu.memref_slice %arg4[%select_n3A, %add3A_95, %dma_wait3A_99] : memref<4x2048x2048xf32, #tpu.memory_space<hbm>> -> memref<1x8x2048xf32, #tpu.memory_space<hbm>>
    %dma_wait3A_101 = tpu.memref_squeeze %dma_wait3A_100 : memref<1x8x2048xf32, #tpu.memory_space<hbm>> -> memref<8x2048xf32, #tpu.memory_space<hbm>>
    tpu.wait_dma2 semaphore(%arg14 : memref<!tpu.dma_semaphore, #tpu.memory_space<semaphore_mem>>) src(%arg6 : memref<8x2048xf32, #tpu.memory_space<vmem>>) dst(%dma_wait3A_101 : memref<8x2048xf32, #tpu.memory_space<hbm>>)
    %dma_wait3A_102 = arith.constant 248 : i32
    %dma_wait3A_103 = tpu.memref_slice %arg5[%dma_wait3A_102] : memref<256xi32, #tpu.memory_space<vmem>> -> memref<8xi32, #tpu.memory_space<vmem>>
    %dma_wait3A_104 = arith.constant 0 : i32
    %dma_wait3A_105 = arith.constant 0 : i32
    %dma_wait3A_106 = tpu.memref_slice %arg2[%dma_wait3A_104, %dma_wait3A_105] : memref<151936x2048xf32, #tpu.memory_space<hbm>> -> memref<151936x2048xf32, #tpu.memory_space<hbm>>
    tpu.wait_indirect_dma semaphore(%arg13 : memref<!tpu.dma_semaphore, #tpu.memory_space<semaphore_mem>>) src(%dma_wait3A_106 : memref<151936x2048xf32, #tpu.memory_space<hbm>>) dst(%arg9 : memref<8x2048xf32, #tpu.memory_space<vmem>>)
    %add3A_107 = arith.constant 248 : i32
    %add3A_108 = arith.addi %mul3A_32, %add3A_107 : i32
    %dma_start3A_109 = arith.constant 0 : i32
    %dma_start3A_110 = tpu.memref_slice %arg4[%select_n3A, %add3A_108, %dma_start3A_109] : memref<4x2048x2048xf32, #tpu.memory_space<hbm>> -> memref<1x8x2048xf32, #tpu.memory_space<hbm>>
    %dma_start3A_111 = tpu.memref_squeeze %dma_start3A_110 : memref<1x8x2048xf32, #tpu.memory_space<hbm>> -> memref<8x2048xf32, #tpu.memory_space<hbm>>
    %dma_start3A_112 = arith.constant 0 : i32
    %dma_start3A_113 = tpu.memref_slice %arg4[%select_n3A, %add3A_108, %dma_start3A_112] : memref<4x2048x2048xf32, #tpu.memory_space<hbm>> -> memref<1x8x2048xf32, #tpu.memory_space<hbm>>
    %dma_start3A_114 = tpu.memref_squeeze %dma_start3A_113 : memref<1x8x2048xf32, #tpu.memory_space<hbm>> -> memref<8x2048xf32, #tpu.memory_space<hbm>>
    tpu.enqueue_dma source(%arg9 : memref<8x2048xf32, #tpu.memory_space<vmem>>) target(%dma_start3A_114 : memref<8x2048xf32, #tpu.memory_space<hbm>>) target_semaphore(%arg17 : memref<!tpu.dma_semaphore, #tpu.memory_space<semaphore_mem>>)
    %add3A_115 = arith.constant 232 : i32
    %add3A_116 = arith.addi %mul3A_32, %add3A_115 : i32
    %dma_wait3A_117 = arith.constant 0 : i32
    %dma_wait3A_118 = tpu.memref_slice %arg4[%select_n3A, %add3A_116, %dma_wait3A_117] : memref<4x2048x2048xf32, #tpu.memory_space<hbm>> -> memref<1x8x2048xf32, #tpu.memory_space<hbm>>
    %dma_wait3A_119 = tpu.memref_squeeze %dma_wait3A_118 : memref<1x8x2048xf32, #tpu.memory_space<hbm>> -> memref<8x2048xf32, #tpu.memory_space<hbm>>
    %dma_wait3A_120 = arith.constant 0 : i32
    %dma_wait3A_121 = tpu.memref_slice %arg4[%select_n3A, %add3A_116, %dma_wait3A_120] : memref<4x2048x2048xf32, #tpu.memory_space<hbm>> -> memref<1x8x2048xf32, #tpu.memory_space<hbm>>
    %dma_wait3A_122 = tpu.memref_squeeze %dma_wait3A_121 : memref<1x8x2048xf32, #tpu.memory_space<hbm>> -> memref<8x2048xf32, #tpu.memory_space<hbm>>
    tpu.wait_dma2 semaphore(%arg15 : memref<!tpu.dma_semaphore, #tpu.memory_space<semaphore_mem>>) src(%arg7 : memref<8x2048xf32, #tpu.memory_space<vmem>>) dst(%dma_wait3A_122 : memref<8x2048xf32, #tpu.memory_space<hbm>>)
    %add3A_123 = arith.constant 240 : i32
    %add3A_124 = arith.addi %mul3A_32, %add3A_123 : i32
    %dma_wait3A_125 = arith.constant 0 : i32
    %dma_wait3A_126 = tpu.memref_slice %arg4[%select_n3A, %add3A_124, %dma_wait3A_125] : memref<4x2048x2048xf32, #tpu.memory_space<hbm>> -> memref<1x8x2048xf32, #tpu.memory_space<hbm>>
    %dma_wait3A_127 = tpu.memref_squeeze %dma_wait3A_126 : memref<1x8x2048xf32, #tpu.memory_space<hbm>> -> memref<8x2048xf32, #tpu.memory_space<hbm>>
    %dma_wait3A_128 = arith.constant 0 : i32
    %dma_wait3A_129 = tpu.memref_slice %arg4[%select_n3A, %add3A_124, %dma_wait3A_128] : memref<4x2048x2048xf32, #tpu.memory_space<hbm>> -> memref<1x8x2048xf32, #tpu.memory_space<hbm>>
    %dma_wait3A_130 = tpu.memref_squeeze %dma_wait3A_129 : memref<1x8x2048xf32, #tpu.memory_space<hbm>> -> memref<8x2048xf32, #tpu.memory_space<hbm>>
    tpu.wait_dma2 semaphore(%arg16 : memref<!tpu.dma_semaphore, #tpu.memory_space<semaphore_mem>>) src(%arg8 : memref<8x2048xf32, #tpu.memory_space<vmem>>) dst(%dma_wait3A_130 : memref<8x2048xf32, #tpu.memory_space<hbm>>)
    %add3A_131 = arith.constant 248 : i32
    %add3A_132 = arith.addi %mul3A_32, %add3A_131 : i32
    %dma_wait3A_133 = arith.constant 0 : i32
    %dma_wait3A_134 = tpu.memref_slice %arg4[%select_n3A, %add3A_132, %dma_wait3A_133] : memref<4x2048x2048xf32, #tpu.memory_space<hbm>> -> memref<1x8x2048xf32, #tpu.memory_space<hbm>>
    %dma_wait3A_135 = tpu.memref_squeeze %dma_wait3A_134 : memref<1x8x2048xf32, #tpu.memory_space<hbm>> -> memref<8x2048xf32, #tpu.memory_space<hbm>>
    %dma_wait3A_136 = arith.constant 0 : i32
    %dma_wait3A_137 = tpu.memref_slice %arg4[%select_n3A, %add3A_132, %dma_wait3A_136] : memref<4x2048x2048xf32, #tpu.memory_space<hbm>> -> memref<1x8x2048xf32, #tpu.memory_space<hbm>>
    %dma_wait3A_138 = tpu.memref_squeeze %dma_wait3A_137 : memref<1x8x2048xf32, #tpu.memory_space<hbm>> -> memref<8x2048xf32, #tpu.memory_space<hbm>>
    tpu.wait_dma2 semaphore(%arg17 : memref<!tpu.dma_semaphore, #tpu.memory_space<semaphore_mem>>) src(%arg9 : memref<8x2048xf32, #tpu.memory_space<vmem>>) dst(%dma_wait3A_138 : memref<8x2048xf32, #tpu.memory_space<hbm>>)
    return
  }
}

</mosaic_0001>

<sc_bundles>
// kernel: _sc_embed.3.cloned.1.call-start
scs
__scs_entry_jumppad:
0x0: {  	(pc) =	sbr.rel $0x88, $3  }
0x1: {  	(tag) =	ssettag $0x0;
	lr =	simm.s32 $0x1  }
0x2: {  	[smem:$0x3F9F] =	sst lr;
	_ =	strace $0xD0000000  }
0x3: {  	_ = 	snop  }
0x4: {  	_ = 	snop  }
0x5: {  	_ = 	snop  }
0x6: {  	_ = 	snop  }
0x7: {  	_ = 	snop  }
__scs_overlays_trampoline_lowered:
0x8: {  	[smem:$0x3FAE] =	sst s0  }
0x9: {  	[smem:$0x3FAF] =	sst s1  }
0xa: {  	[smem:$0x3FB0] =	sst s2  }
0xb: {  	[smem:$0x3FB1] =	sst s3  }
0xc: {  	[smem:$0x3FB2] =	sst s4  }
0xd: {  	[smem:$0x3FB3] =	sst s5  }
0xe: {  	[smem:$0x3FB4] =	sst s6  }
0xf: {  	[smem:$0x3FB5] =	sst s7  }
0x10: {  	[smem:$0x3FB6] =	sst s8  }
0x11: {  	[smem:$0x3FB7] =	sst s9;
	s0 =	simm.s32 @!p0 $0x0  }
0x12: {  	s1 =	sld [smem:$0x3F9D];
	s0 =	simm.s32 @p0 $0x1  }
0x13: {  	[smem:$0x3FB8] =	sst s0;
	s0 =	simm.s32 @!p1 $0x0  }
0x14: {  	s2 =	sld [smem:$0x3F9C];
	s0 =	simm.s32 @p1 $0x1  }
0x15: {  	[smem:$0x3FB9] =	sst s0;
	s0 =	simm.s32 @!p2 $0x0  }
0x16: {  	s3 =	sld [smem:$0x3FDB];
	s0 =	simm.s32 @p2 $0x1  }
0x17: {  	s4 =	simm.s32 $0x1BF5;
	[smem:$0x3FBB] =	sst s0  }
0x18: {  	s0 =	sld [smem:$0x3F9E];
	_ =	swait.ge [sflag:s4], $0x0  }
0x19: {  	s7 =	sld [smem:$0x3F9F]  }
0x1a: {  	s8 =	sadd.s32 $0xFFFFE003, lr  }
0x1b: {  	s9 =	sadd.s32 $0xFFFFFEF7, lr;
	s5 =	simm.s32 $0xFFFFFFFF;
	p2 =	slt.u32 s8, $0xFFFFF086  }
0x1c: {  	p1 =	slt.u32 s9, $0xF7A;
	s5 =	simm.s32 @!p2 $0x0  }
0x1d: {  	s5 =	simm.s32 @p1 $0x1;
	p0 =	seq.s32 s7, s2  }
0x1e: {  	s7 =	smul.u32 @!p0 $0xF7A, s2;
	p2 =	seq.s32 @!p0 s5, $0x0  }
0x1f: {  	s9 =	smul.u32 $0xF7A, s1;
	s8 =	simm.s32 @!p0 $0x1BF5;
	p2 =	por !p2, p0  }
0x20: {  	[sflag:s8] =	ssyncset.s32 @!p0 $0xFFFFF086;
	s6 =	sadd.s32 @!p0 s3, s7;
	s7 =	simm.s32 @!p0 $0x108  }
0x21: {  	s3 =	sadd.s32 s3, s9;
	s6 =	sadd.s32 @!p0 $0x88, s6;
	s7 =	simm.s32 @p2 $0x1082  }
0x22: {  	[simem:s7], [sflag:s8] =	dma.local @!p0 [hbm:s6], $0xF7A  }
0x23: {  	s9 =	sor.u32 $0xD0000000, s2;
	s6 =	simm.s32 $0x108;
	_ =	swait.ge @!p0 [sflag:s8], $0x0  }
0x24: {  	s3 =	sadd.s32 $0x88, s3;
	s6 =	simm.s32 @!p1 $0x1082;
	[sflag:s4] =	ssyncset.s32 $0xFFFFF086  }
0x25: {  	[simem:s6], [sflag:s4] =	dma.local [hbm:s3], $0xF7A  }
0x26: {  	[smem:$0x3F9F] =	sst s1;
	(tag) =	ssettag s2;
	_ =	strace s9  }
0x27: {  	s1 =	sld [smem:$0x3FAF]  }
0x28: {  	s2 =	sld [smem:$0x3FB0]  }
0x29: {  	s4 =	sld [smem:$0x3FB2]  }
0x2a: {  	p0 =	seq.s32 s5, $0x0;
	s5 =	sld [smem:$0x3FB3]  }
0x2b: {  	s6 =	sld [smem:$0x3FB4]  }
0x2c: {  	s7 =	sld [smem:$0x3FB5]  }
0x2d: {  	s3 =	simm.s32 $0x108;
	s8 =	sld [smem:$0x3FB6]  }
0x2e: {  	s3 =	simm.s32 @!p0 $0x1082;
	s9 =	sld [smem:$0x3FB7]  }
0x2f: {  	lr =	sadd.s32 s0, s3;
	s0 =	sld [smem:$0x3FAE]  }
0x30: {  	s3 =	sld [smem:$0x3FB1]  }
0x31: {  	[smem:$0x3FBA] =	sst s10  }
0x32: {  	s10 =	sld [smem:$0x3FB8];
	_ =	sdelay $0x3  }
0x33: {  	p0 =	seq.s32 s10, $0x1;
	s10 =	sld [smem:$0x3FBA];
	_ =	sdelay $0x3  }
0x34: {  	[smem:$0x3FBA] =	sst s10  }
0x35: {  	s10 =	sld [smem:$0x3FB9];
	_ =	sdelay $0x3  }
0x36: {  	p1 =	seq.s32 s10, $0x1;
	s10 =	sld [smem:$0x3FBA];
	_ =	sdelay $0x3  }
0x37: {  	[smem:$0x3FBA] =	sst s10  }
0x38: {  	s10 =	sld [smem:$0x3FBB]  }
0x39: {  	_ = 	snop;
	(pc) =	sbr.ind lr, $3  }
0x3a: {  	_ = 	snop  }
0x3b: {  	_ = 	snop  }
0x3c: {  	p2 =	seq.s32 s10, $0x1;
	s10 =	sld [smem:$0x3FBA]  }
0x3d: {  	_ =	shalt  }
0x3e: {  	_ =	shalt  }
0x3f: {  	_ =	shalt  }
0x40: {  	_ =	shalt  }
0x41: {  	_ =	shalt  }
0x42: {  	_ =	shalt  }
0x43: {  	_ =	shalt  }
0x44: {  	_ =	shalt  }
0x45: {  	_ =	shalt  }
0x46: {  	_ =	shalt  }
0x47: {  	_ =	shalt  }
0x48: {  	_ =	shalt  }
0x49: {  	_ =	shalt  }
0x4a: {  	_ =	shalt  }
0x4b: {  	_ =	shalt  }
0x4c: {  	_ =	shalt  }
0x4d: {  	_ =	shalt  }
0x4e: {  	_ =	shalt  }
0x4f: {  	_ =	shalt  }
0x50: {  	_ =	shalt  }
0x51: {  	_ =	shalt  }
0x52: {  	_ =	shalt  }
0x53: {  	_ =	shalt  }
0x54: {  	_ =	shalt  }
0x55: {  	_ =	shalt  }
0x56: {  	_ =	shalt  }
0x57: {  	_ =	shalt  }
0x58: {  	_ =	shalt  }
0x59: {  	_ =	shalt  }
0x5a: {  	_ =	shalt  }
0x5b: {  	_ =	shalt  }
0x5c: {  	_ =	shalt  }
0x5d: {  	_ =	shalt  }
0x5e: {  	_ =	shalt  }
0x5f: {  	_ =	shalt  }
0x60: {  	_ =	shalt  }
0x61: {  	_ =	shalt  }
0x62: {  	_ =	shalt  }
0x63: {  	_ =	shalt  }
0x64: {  	_ =	shalt  }
0x65: {  	_ =	shalt  }
0x66: {  	_ =	shalt  }
0x67: {  	_ =	shalt  }
0x68: {  	_ =	shalt  }
0x69: {  	_ =	shalt  }
0x6a: {  	_ =	shalt  }
0x6b: {  	_ =	shalt  }
0x6c: {  	_ =	shalt  }
0x6d: {  	_ =	shalt  }
0x6e: {  	_ =	shalt  }
0x6f: {  	_ =	shalt  }
0x70: {  	_ =	shalt  }
0x71: {  	_ =	shalt  }
0x72: {  	_ =	shalt  }
0x73: {  	_ =	shalt  }
0x74: {  	_ =	shalt  }
0x75: {  	_ =	shalt  }
0x76: {  	_ =	shalt  }
0x77: {  	_ =	shalt  }
0x78: {  	_ =	shalt  }
0x79: {  	_ =	shalt  }
0x7a: {  	_ =	shalt  }
0x7b: {  	_ =	shalt  }
0x7c: {  	_ =	shalt  }
0x7d: {  	_ =	shalt  }
0x7e: {  	_ =	shalt  }
0x7f: {  	_ =	shalt  }
0x80: {  	_ =	shalt  }
0x81: {  	_ =	shalt  }
0x82: {  	_ =	shalt  }
0x83: {  	_ =	shalt  }
0x84: {  	_ =	shalt  }
0x85: {  	_ =	shalt  }
0x86: {  	_ =	shalt  }
0x87: {  	_ =	shalt  }
.Lfunc_end0:
.L_simem_size_0:
called_computation_lowered:
.L_overlay_start_0:
0x88: {  	s2 =	sld [smem:$0x3FD9]  }
0x89: {  	s3 =	sld [smem:$0x3FFE];
	_ =	sdelay $0x1  }
0x8a: {  	s1 =	srdreg.scid  }
0x8b: {  	s0 =	sand.u32 $0x1, s1  }
0x8c: {  	s18 =	sshll.u32 s0, $0xA;
	s2 =	sadd.s32 s3, s2  }
0x8d: {  	s2 =	sadd.s32 s2, s18  }
0x8e: {  	[smem:$0x3FC6] =	sst s2  }
0x8f: {  	_ = 	snop  }
0x90: {  	s2 =	sld [smem:$0x3FC9]  }
0x91: {  	s19 =	sld [smem:$0x3FC8]  }
0x92: {  	s4 =	sld [smem:$0x3FD0];
	(tm) =	ssettm $0x1  }
0x93: {  	s5 =	sld [smem:$0x3FFB];
	_ =	sdelay $0x3  }
0x94: {  	_ =	strace s5  }
0x95: {  	s5 =	sld [smem:$0x3FFC];
	_ =	sdelay $0x3  }
0x96: {  	_ =	strace s5  }
0x97: {  	s5 =	sld [smem:$0x3FFD];
	_ =	sdelay $0x3  }
0x98: {  	_ =	strace s5  }
0x99: {  	_ =	strace $0x8FFFFFFF  }
0x9a: {  	s20 =	sld [smem:$0x3FDB];
	_ =	sdelay $0x1  }
0x9b: {  	s6 =	simm.s32 $_scs_section_size  }
0x9c: {  	s7 =	simm.s32 $_size__tile_overlayer_lowered;
	s8 =	simm.s32 $_tile_overlayer_lowered  }
0x9d: {  	s23 =	simm.s32 $0x1BFF;
	s22 =	sshll.u32 s8, $0x1;
	s5 =	sadd.s32 s6, s20  }
0x9e: {  	s9 =	simm.s32 $0x0;
	s21 =	sshll.u32 s7, $0x1;
	s7 =	sadd.s32 s22, s5  }
0x9f: {  	[timem:s9], [sflag:s23] =	dma.local [hbm:s7], s21  }
0xa0: {  	_ =	swait.ge [sflag:s23], s21  }
0xa1: {  	s6 =	ssub.s32 $0x0, s21;
	[sflag:s23] =	ssyncset.done $0x0  }
0xa2: {  	[sflag:s23] =	ssyncadd.s32 s6;
	_ =	sdelay $0x1  }
0xa3: {  	s24 =	simm.s32 $0x1B8B  }
0xa4: {  	_ =	swait.ge [sflag:s24], $0x1  }
0xa5: {  	[sflag:s24] =	ssyncset.done $0x0  }
0xa6: {  	s25 =	simm.s32 $0x1B8E;
	[sflag:s24] =	ssyncadd.s32 $0xFFFFFFFF  }
0xa7: {  	s26 =	simm.s32 $execute0_lowered;
	[smem:$0x3FD2] =	sst s25  }
0xa8: {  	s6 =	sshll.u32 s26, $0x1;
	_ =	strace $0x80000046;
	[dreg:$0x1] =	wrdreg $0xFFFFFFFF  }
0xa9: {  	s28 =	simm.s32 $_size_execute0_lowered;
	s5 =	sadd.s32 s5, s6;
	[dreg:$0x0] =	wrdreg $0x0  }
0xaa: {  	s6 =	sshll.u32 s28, $0x1;
	[dreg:$0x2] =	wrdreg s5  }
0xab: {  	[dreg:$0x3] =	wrdreg s6  }
0xac: {  	[dreg:$0x4] =	wrdreg $0xC0  }
0xad: {  	_ =	task [dreg:s9], $0x5FFFF  }
0xae: {  	[dreg:$0x1] =	wrdreg $0xFFFFFFFF  }
0xaf: {  	[dreg:$0x0] =	wrdreg $0x60  }
0xb0: {  	[dreg:$0x2] =	wrdreg s2  }
0xb1: {  	[dreg:$0x3] =	wrdreg s19  }
0xb2: {  	[dreg:$0x4] =	wrdreg s4  }
0xb3: {  	[dreg:$0x5] =	wrdreg $0x9  }
0xb4: {  	_ =	task.clear_ibuf [dreg:s9], $0x6FFFF;
	_ =	strace $0x90000046  }
0xb5: {  	s29 =	simm.s32 $0x9;
	_ =	strace $0x80000048  }
0xb6: {  	_ =	swait.ge [sflag:s29], $0x1  }
0xb7: {  	[sflag:s29] =	ssyncadd.s32 $0xFFFFFFFF  }
0xb8: {  	_ =	strace $0x90000048  }
0xb9: {  	_ =	sfence  }
0xba: {  	s30 =	sld [smem:$0x0];
	_ =	sdelay $0x2  }
0xbb: {  	s31 =	sshll.u32 s1, $0xD;
	s1 =	sshrl.u32 s1, $0x2  }
0xbc: {  	s3 =	sand.u32 $0x4000, s31;
	s1 =	sadd.s32 s1, s30  }
0xbd: {  	s0 =	sor.u32 s3, s0;
	s1 =	sshll.u32 s1, $0x11  }
0xbe: {  	s0 =	sor.u32 s1, s0  }
0xbf: {  	s0 =	sadd.s32 $0x8F2B, s0  }
0xc0: {  	[sflag:s0] =	ssyncadd.remote.s32 $0x1  }
0xc1: {  	_ =	sfence.sel $0xFFFF  }
0xc2: {  	[dreg:$0x0] =	wrdreg $0xFFFFFFFF;
	(pc) =	sbr.abs _section_cstart, $3  }
0xc3: {  	[dreg:$0x1] =	wrdreg $0xFFFFFFFF  }
0xc4: {  	_ =	task.clear_ibuf [dreg:s9], $0x2FFFF;
	_ =	strace $0x9FFFFFFF  }
0xc5: {  	(tm) =	ssettm $0x7FFFFFFF  }
tec
execute0_lowered:
.L_overlay_start_1:
0x0: {  	(tag) =	ssettag $0x1  }
0x1: {  	s1 =	rddreg [dreg:$0x0]  }
0x2: {  	s0 =	rddreg [dreg:$0x1]  }
0x3: {  	s2 =	rddreg [dreg:$0x2];
	s3 =	simm.s32 $0x0  }
0x4: {  	s13 =	stileid.u32;
	s4 =	srdreg.scid;
	s29 =	simm.s32 $0x4100  }
0x5: {  	s18 =	simm.s32 $0x3;
	s15 =	simm.s32 $0x4;
	s16 =	simm.s32 $0x6  }
0x6: {  	s28 =	simm.s32 $0xD100;
	s30 =	simm.s32 $0xD900;
	s31 =	simm.s32 $0xE100  }
0x7: {  	s17 =	simm.s32 $0xF900;
	[smem:$0x7FF] =	sst s3;
	s5 =	sshll.u32 s13, $0x1  }
0x8: {  	s4 =	sand.u32 $0x1, s4;
	s10 =	sshrl.u32 s13, $0x2;
	s9 =	sadd.s32 $0x500, s1  }
0x9: {  	s20 =	sand.u32 $0x3, s13;
	s5 =	sand.u32 $0x6, s5;
	s6 =	ssub.s32 $0x2, s4  }
0xa: {  	s19 =	sshll.u32 s10, $0x4;
	_ =	strace $0x80000047;
	s10 =	sshll.u32 s10, $0x16  }
0xb: {  	s11 =	sor.u32 s4, s5;
	s7 =	sshrl.u32 s6, $0x1;
	s0 =	sadd.s32 s0, s19  }
0xc: {  	s5 =	sadd.s32 $0x100, s1;
	s4 =	sshll.u32 s4, $0x13;
	s19 =	simm.s32 $0x8  }
0xd: {  	s8 =	sshll.u32 s11, $0x7;
	s12 =	ssub.s32 s6, s7;
	s6 =	sadd.s32 $0x200, s1  }
0xe: {  	s7 =	sadd.s32 $0x300, s1;
	s11 =	sshll.u32 s11, $0x13;
	s0 =	sadd.s32 s8, s0  }
0xf: {  	s8 =	sadd.s32 $0x400, s1;
	s11 =	sor.u32 s10, s11;
	s12 =	smax.u32 s12, $0x1  }
0x10: {  	[dreg:$0x8] =	wrdreg s0;
	s0 =	sshll.u32 s20, $0x14;
	s21 =	sshrl.u32 s11, $0x3  }
0x11: {  	s11 =	sadd.s32 $0x700, s1;
	[dreg:$0xd] =	wrdreg s12;
	s20 =	simm.s32 $0x100  }
0x12: {  	s12 =	simm.s32 $0x7;
	s0 =	sor.u32 s0, s10;
	s13 =	sadd.s32 s2, s21  }
0x13: {  	s10 =	sadd.s32 $0x600, s1;
	s14 =	sadd.s32 $0x800, s13;
	[dreg:$0x9] =	wrdreg s13  }
0x14: {  	s0 =	sor.u32 s4, s0;
	s22 =	sadd.s32 $0xF000, s13;
	[dreg:$0xa] =	wrdreg s14  }
0x15: {  	s13 =	sadd.s32 $0xF800, s13;
	s4 =	sor.u32 $0x8000, s0;
	[dreg:$0xb] =	wrdreg s22  }
0x16: {  	[dreg:$0xc] =	wrdreg s13;
	s23 =	sor.u32 $0x10000, s0;
	s25 =	sor.u32 $0x14000, s0  }
0x17: {  	s0 =	sor.u32 $0xC000, s0;
	s14 =	simm.s32 $0x8100;
	s4 =	sshrl.u32 s4, $0x3  }
0x18: {  	s24 =	sshrl.u32 s23, $0x3;
	s13 =	sshrl.u32 s25, $0x3;
	s4 =	sadd.s32 s4, s2  }
0x19: {  	s0 =	sshrl.u32 s0, $0x3;
	s26 =	sadd.s32 s13, s2;
	[dreg:$0x4] =	wrdreg s4  }
0x1a: {  	s25 =	simm.s32 $0xC100;
	s0 =	sadd.s32 s0, s2;
	[dreg:$0x6] =	wrdreg s26  }
0x1b: {  	v0 =	vlaneseq.u32;
	s13 =	simm.s32 $0x1;
	s4 =	sadd.s32 s24, s2;
	[dreg:$0x7] =	wrdreg s0  }
0x1c: {  	v1 =	vshrl.u32 v0, $0x3;
	s24 =	simm.s32 $0x2;
	s0 =	simm.s32 $0x0;
	s26 =	simm.s32 $0xC900  }
0x1d: {  	vm0 =	vmmov $0xffff;
	v0 =	vand.u32 $0x7, v0;
	v1 =	vmul.u32 $0x8, v1;
	s2 =	simm.s32 $0xF100;
	[dreg:$0x5] =	wrdreg s4;
	s4 =	simm.s32 $0x5  }
.LBB2_1:
0x1e: {  	[dreg:$0xe] =	wrdreg s0  }
0x1f: {  	s21 =	rddreg [dreg:$0x8]  }
0x20: {  	s22 =	simm.s32 $0x80;
	s23 =	simm.s32 $0x200;
	s0 =	simm.s32 $0x9  }
0x21: {  	[tilespmem:s3], [sflag:$0x9] =	stream.strided.gather [hbm4b:s21+s22], $0x100, s23, s22, $0x38;
	[tilespmem:$0x10100] =	vst v63  }
0x22: {  	_ =	swait.ge [sflag:s0], $0x100  }
0x23: {  	[sflag:s0] =	ssyncset.done $0x0  }
0x24: {  	[sflag:s0] =	ssyncadd.s32 $0xFFFFFF00  }
0x25: {  	v2 =	vld.msk [tilespmem:$0x0], $0xff;
	_ =	sdelay $0x4  }
0x26: {  	v3 =	vshll.u32 v2, $0x4  }
0x27: {  	v2 =	vand.u32 $0x7, v2;
	v3 =	vand.u32 $0xFFFFFF80, v3  }
0x28: {  	v2 =	vor.u32 v2, v3  }
0x29: {  	v2 =	vperm.xlane v2, v0;
	_ =	sdelay $0x1  }
0x2a: {  	v2 =	vadd.s32 v1, v2;
	_ =	sdelay $0x4  }
0x2b: {  	[tilespmem:s20], [sflag:$0x1] =	stream.indirect_vreg.gather [hbm4b:s1+s3], $0x80, v2, vm0, $0xb8;
	[tilespmem:$0x10100] =	vst v63  }
0x2c: {  	s22 =	simm.s32 $0x900  }
0x2d: {  	[tilespmem:s22], [sflag:$0x1] =	stream.indirect_vreg.gather [hbm4b:s5+s3], $0x80, v2, vm0, $0xb8;
	[tilespmem:$0x10100] =	vst v63  }
0x2e: {  	s23 =	simm.s32 $0x1100  }
0x2f: {  	[tilespmem:s23], [sflag:$0x1] =	stream.indirect_vreg.gather [hbm4b:s6+s3], $0x80, v2, vm0, $0xb8;
	[tilespmem:$0x10100] =	vst v63  }
0x30: {  	s21 =	simm.s32 $0x1900  }
0x31: {  	[tilespmem:s21], [sflag:$0x1] =	stream.indirect_vreg.gather [hbm4b:s7+s3], $0x80, v2, vm0, $0xb8;
	[tilespmem:$0x10100] =	vst v63  }
0x32: {  	s22 =	simm.s32 $0x2100  }
0x33: {  	[tilespmem:s22], [sflag:$0x1] =	stream.indirect_vreg.gather [hbm4b:s8+s3], $0x80, v2, vm0, $0xb8;
	[tilespmem:$0x10100] =	vst v63  }
0x34: {  	s23 =	simm.s32 $0x2900  }
0x35: {  	[tilespmem:s23], [sflag:$0x1] =	stream.indirect_vreg.gather [hbm4b:s9+s3], $0x80, v2, vm0, $0xb8;
	[tilespmem:$0x10100] =	vst v63  }
0x36: {  	s21 =	simm.s32 $0x3100  }
0x37: {  	[tilespmem:s21], [sflag:$0x1] =	stream.indirect_vreg.gather [hbm4b:s10+s3], $0x80, v2, vm0, $0xb8;
	[tilespmem:$0x10100] =	vst v63  }
0x38: {  	s22 =	simm.s32 $0x3900  }
0x39: {  	[tilespmem:s22], [sflag:$0x1] =	stream.indirect_vreg.gather [hbm4b:s11+s3], $0x80, v2, vm0, $0xb8;
	[tilespmem:$0x10100] =	vst v63  }
0x3a: {  	v2 =	vld.msk [tilespmem:$0x8], $0xff;
	_ =	sdelay $0x4  }
0x3b: {  	v3 =	vshll.u32 v2, $0x4  }
0x3c: {  	v2 =	vand.u32 $0x7, v2;
	v3 =	vand.u32 $0xFFFFFF80, v3  }
0x3d: {  	v2 =	vor.u32 v2, v3  }
0x3e: {  	v2 =	vperm.xlane v2, v0;
	_ =	sdelay $0x1  }
0x3f: {  	v2 =	vadd.s32 v1, v2;
	_ =	sdelay $0x4  }
0x40: {  	[tilespmem:s29], [sflag:$0x2] =	stream.indirect_vreg.gather [hbm4b:s1+s3], $0x80, v2, vm0, $0xb8;
	[tilespmem:$0x10100] =	vst v63  }
0x41: {  	s23 =	simm.s32 $0x4900  }
0x42: {  	[tilespmem:s23], [sflag:$0x2] =	stream.indirect_vreg.gather [hbm4b:s5+s3], $0x80, v2, vm0, $0xb8;
	[tilespmem:$0x10100] =	vst v63  }
0x43: {  	s21 =	simm.s32 $0x5100  }
0x44: {  	[tilespmem:s21], [sflag:$0x2] =	stream.indirect_vreg.gather [hbm4b:s6+s3], $0x80, v2, vm0, $0xb8;
	[tilespmem:$0x10100] =	vst v63  }
0x45: {  	s22 =	simm.s32 $0x5900  }
0x46: {  	[tilespmem:s22], [sflag:$0x2] =	stream.indirect_vreg.gather [hbm4b:s7+s3], $0x80, v2, vm0, $0xb8;
	[tilespmem:$0x10100] =	vst v63  }
0x47: {  	s23 =	simm.s32 $0x6100  }
0x48: {  	[tilespmem:s23], [sflag:$0x2] =	stream.indirect_vreg.gather [hbm4b:s8+s3], $0x80, v2, vm0, $0xb8;
	[tilespmem:$0x10100] =	vst v63  }
0x49: {  	s21 =	simm.s32 $0x6900  }
0x4a: {  	[tilespmem:s21], [sflag:$0x2] =	stream.indirect_vreg.gather [hbm4b:s9+s3], $0x80, v2, vm0, $0xb8;
	[tilespmem:$0x10100] =	vst v63  }
0x4b: {  	s22 =	simm.s32 $0x7100  }
0x4c: {  	[tilespmem:s22], [sflag:$0x2] =	stream.indirect_vreg.gather [hbm4b:s10+s3], $0x80, v2, vm0, $0xb8;
	[tilespmem:$0x10100] =	vst v63  }
0x4d: {  	s23 =	simm.s32 $0x7900  }
0x4e: {  	[tilespmem:s23], [sflag:$0x2] =	stream.indirect_vreg.gather [hbm4b:s11+s3], $0x80, v2, vm0, $0xb8;
	[tilespmem:$0x10100] =	vst v63  }
0x4f: {  	_ =	swait.ge [sflag:s13], $0x4000  }
0x50: {  	[sflag:s13] =	ssyncset.done $0x0  }
0x51: {  	s0 =	rddreg [dreg:$0x9];
	[sflag:s13] =	ssyncadd.s32 $0xFFFFC000  }
0x52: {  	[hbm4b:s0+s3] =	stream.linear.scatter [tilespmem:s20], [sflag:$0x5], $0x4000, $0x38;
	[tilespmem:$0x10100] =	vst v63  }
0x53: {  	v2 =	vld.msk [tilespmem:$0x10], $0xff;
	_ =	sdelay $0x4  }
0x54: {  	v3 =	vshll.u32 v2, $0x4  }
0x55: {  	v2 =	vand.u32 $0x7, v2;
	v3 =	vand.u32 $0xFFFFFF80, v3  }
0x56: {  	v2 =	vor.u32 v2, v3  }
0x57: {  	v2 =	vperm.xlane v2, v0;
	_ =	sdelay $0x1  }
0x58: {  	v2 =	vadd.s32 v1, v2;
	_ =	sdelay $0x4  }
0x59: {  	[tilespmem:s14], [sflag:$0x3] =	stream.indirect_vreg.gather [hbm4b:s1+s3], $0x80, v2, vm0, $0xb8;
	[tilespmem:$0x10100] =	vst v63  }
0x5a: {  	s22 =	simm.s32 $0x8900  }
0x5b: {  	[tilespmem:s22], [sflag:$0x3] =	stream.indirect_vreg.gather [hbm4b:s5+s3], $0x80, v2, vm0, $0xb8;
	[tilespmem:$0x10100] =	vst v63  }
0x5c: {  	s23 =	simm.s32 $0x9100  }
0x5d: {  	[tilespmem:s23], [sflag:$0x3] =	stream.indirect_vreg.gather [hbm4b:s6+s3], $0x80, v2, vm0, $0xb8;
	[tilespmem:$0x10100] =	vst v63  }
0x5e: {  	s21 =	simm.s32 $0x9900  }
0x5f: {  	[tilespmem:s21], [sflag:$0x3] =	stream.indirect_vreg.gather [hbm4b:s7+s3], $0x80, v2, vm0, $0xb8;
	[tilespmem:$0x10100] =	vst v63  }
0x60: {  	s22 =	simm.s32 $0xA100  }
0x61: {  	[tilespmem:s22], [sflag:$0x3] =	stream.indirect_vreg.gather [hbm4b:s8+s3], $0x80, v2, vm0, $0xb8;
	[tilespmem:$0x10100] =	vst v63  }
0x62: {  	s23 =	simm.s32 $0xA900  }
0x63: {  	[tilespmem:s23], [sflag:$0x3] =	stream.indirect_vreg.gather [hbm4b:s9+s3], $0x80, v2, vm0, $0xb8;
	[tilespmem:$0x10100] =	vst v63  }
0x64: {  	s21 =	simm.s32 $0xB100  }
0x65: {  	[tilespmem:s21], [sflag:$0x3] =	stream.indirect_vreg.gather [hbm4b:s10+s3], $0x80, v2, vm0, $0xb8;
	[tilespmem:$0x10100] =	vst v63  }
0x66: {  	s22 =	simm.s32 $0xB900  }
0x67: {  	[tilespmem:s22], [sflag:$0x3] =	stream.indirect_vreg.gather [hbm4b:s11+s3], $0x80, v2, vm0, $0xb8;
	[tilespmem:$0x10100] =	vst v63  }
0x68: {  	_ =	swait.ge [sflag:s24], $0x4000  }
0x69: {  	[sflag:s24] =	ssyncset.done $0x0  }
0x6a: {  	s23 =	rddreg [dreg:$0xa];
	[sflag:s24] =	ssyncadd.s32 $0xFFFFC000  }
0x6b: {  	[hbm4b:s23+s3] =	stream.linear.scatter [tilespmem:s29], [sflag:$0x6], $0x4000, $0x38;
	[tilespmem:$0x10100] =	vst v63  }
0x6c: {  	v2 =	vld.msk [tilespmem:$0x18], $0xff;
	_ =	sdelay $0x4  }
0x6d: {  	v3 =	vshll.u32 v2, $0x4  }
0x6e: {  	v2 =	vand.u32 $0x7, v2;
	v3 =	vand.u32 $0xFFFFFF80, v3  }
0x6f: {  	v2 =	vor.u32 v2, v3  }
0x70: {  	v2 =	vperm.xlane v2, v0;
	_ =	sdelay $0x1  }
0x71: {  	v2 =	vadd.s32 v1, v2;
	_ =	sdelay $0x4  }
0x72: {  	[tilespmem:s25], [sflag:$0x4] =	stream.indirect_vreg.gather [hbm4b:s1+s3], $0x80, v2, vm0, $0xb8;
	[tilespmem:$0x10100] =	vst v63  }
0x73: {  	_ = 	snop  }
0x74: {  	[tilespmem:s26], [sflag:$0x4] =	stream.indirect_vreg.gather [hbm4b:s5+s3], $0x80, v2, vm0, $0xb8;
	[tilespmem:$0x10100] =	vst v63  }
0x75: {  	_ = 	snop  }
0x76: {  	[tilespmem:s28], [sflag:$0x4] =	stream.indirect_vreg.gather [hbm4b:s6+s3], $0x80, v2, vm0, $0xb8;
	[tilespmem:$0x10100] =	vst v63  }
0x77: {  	_ = 	snop  }
0x78: {  	[tilespmem:s30], [sflag:$0x4] =	stream.indirect_vreg.gather [hbm4b:s7+s3], $0x80, v2, vm0, $0xb8;
	[tilespmem:$0x10100] =	vst v63  }
0x79: {  	_ = 	snop  }
0x7a: {  	[tilespmem:s31], [sflag:$0x4] =	stream.indirect_vreg.gather [hbm4b:s8+s3], $0x80, v2, vm0, $0xb8;
	[tilespmem:$0x10100] =	vst v63  }
0x7b: {  	s0 =	simm.s32 $0xE900  }
0x7c: {  	[tilespmem:s0], [sflag:$0x4] =	stream.indirect_vreg.gather [hbm4b:s9+s3], $0x80, v2, vm0, $0xb8;
	[tilespmem:$0x10100] =	vst v63  }
0x7d: {  	_ = 	snop  }
0x7e: {  	[tilespmem:s2], [sflag:$0x4] =	stream.indirect_vreg.gather [hbm4b:s10+s3], $0x80, v2, vm0, $0xb8;
	[tilespmem:$0x10100] =	vst v63  }
0x7f: {  	s21 =	simm.s32 $0x38;
	s22 =	simm.s32 $0x0  }
0x80: {  	[tilespmem:s17], [sflag:$0x4] =	stream.indirect_vreg.gather [hbm4b:s11+s3], $0x80, v2, vm0, $0xb8;
	[tilespmem:$0x10100] =	vst v63  }
.LBB2_2:
0x81: {  	_ =	swait.ge [sflag:s18], $0x4000  }
0x82: {  	s23 =	rddreg [dreg:$0x4];
	[sflag:s18] =	ssyncset.done $0x0  }
0x83: {  	[sflag:s18] =	ssyncadd.s32 $0xFFFFC000;
	s23 =	sadd.s32 s22, s23  }
0x84: {  	[hbm4b:s23+s3] =	stream.linear.scatter [tilespmem:s14], [sflag:$0x7], $0x4000, $0x38;
	[tilespmem:$0x10100] =	vst v63  }
0x85: {  	_ =	swait.ge [sflag:s4], $0x4000  }
0x86: {  	[sflag:s4] =	ssyncset.done $0x0  }
0x87: {  	[sflag:s4] =	ssyncadd.s32 $0xFFFFC000  }
0x88: {  	v2 =	vld.msk [tilespmem:s21+$0xFFFFFFE8], $0xff;
	_ =	sdelay $0x4  }
0x89: {  	v3 =	vshll.u32 v2, $0x4  }
0x8a: {  	v2 =	vand.u32 $0x7, v2;
	v3 =	vand.u32 $0xFFFFFF80, v3  }
0x8b: {  	v2 =	vor.u32 v2, v3  }
0x8c: {  	v2 =	vperm.xlane v2, v0;
	_ =	sdelay $0x1  }
0x8d: {  	v2 =	vadd.s32 v1, v2;
	_ =	sdelay $0x4  }
0x8e: {  	[tilespmem:s20], [sflag:$0x1] =	stream.indirect_vreg.gather [hbm4b:s1+s3], $0x80, v2, vm0, $0xb8;
	[tilespmem:$0x10100] =	vst v63  }
0x8f: {  	s23 =	simm.s32 $0x900  }
0x90: {  	[tilespmem:s23], [sflag:$0x1] =	stream.indirect_vreg.gather [hbm4b:s5+s3], $0x80, v2, vm0, $0xb8;
	[tilespmem:$0x10100] =	vst v63  }
0x91: {  	s23 =	simm.s32 $0x1100  }
0x92: {  	[tilespmem:s23], [sflag:$0x1] =	stream.indirect_vreg.gather [hbm4b:s6+s3], $0x80, v2, vm0, $0xb8;
	[tilespmem:$0x10100] =	vst v63  }
0x93: {  	s23 =	simm.s32 $0x1900  }
0x94: {  	[tilespmem:s23], [sflag:$0x1] =	stream.indirect_vreg.gather [hbm4b:s7+s3], $0x80, v2, vm0, $0xb8;
	[tilespmem:$0x10100] =	vst v63  }
0x95: {  	s23 =	simm.s32 $0x2100  }
0x96: {  	[tilespmem:s23], [sflag:$0x1] =	stream.indirect_vreg.gather [hbm4b:s8+s3], $0x80, v2, vm0, $0xb8;
	[tilespmem:$0x10100] =	vst v63  }
0x97: {  	s23 =	simm.s32 $0x2900  }
0x98: {  	[tilespmem:s23], [sflag:$0x1] =	stream.indirect_vreg.gather [hbm4b:s9+s3], $0x80, v2, vm0, $0xb8;
	[tilespmem:$0x10100] =	vst v63  }
0x99: {  	s23 =	simm.s32 $0x3100  }
0x9a: {  	[tilespmem:s23], [sflag:$0x1] =	stream.indirect_vreg.gather [hbm4b:s10+s3], $0x80, v2, vm0, $0xb8;
	[tilespmem:$0x10100] =	vst v63  }
0x9b: {  	s23 =	simm.s32 $0x3900  }
0x9c: {  	[tilespmem:s23], [sflag:$0x1] =	stream.indirect_vreg.gather [hbm4b:s11+s3], $0x80, v2, vm0, $0xb8;
	[tilespmem:$0x10100] =	vst v63  }
0x9d: {  	_ =	swait.ge [sflag:s15], $0x4000  }
0x9e: {  	s23 =	rddreg [dreg:$0x7];
	[sflag:s15] =	ssyncset.done $0x0  }
0x9f: {  	[sflag:s15] =	ssyncadd.s32 $0xFFFFC000;
	s23 =	sadd.s32 s22, s23  }
0xa0: {  	[hbm4b:s23+s3] =	stream.linear.scatter [tilespmem:s25], [sflag:$0x8], $0x4000, $0x38;
	[tilespmem:$0x10100] =	vst v63  }
0xa1: {  	_ =	swait.ge [sflag:s16], $0x4000  }
0xa2: {  	[sflag:s16] =	ssyncset.done $0x0  }
0xa3: {  	[sflag:s16] =	ssyncadd.s32 $0xFFFFC000  }
0xa4: {  	v2 =	vld.msk [tilespmem:s21+$0xFFFFFFF0], $0xff;
	_ =	sdelay $0x4  }
0xa5: {  	v3 =	vshll.u32 v2, $0x4  }
0xa6: {  	v2 =	vand.u32 $0x7, v2;
	v3 =	vand.u32 $0xFFFFFF80, v3  }
0xa7: {  	v2 =	vor.u32 v2, v3  }
0xa8: {  	v2 =	vperm.xlane v2, v0;
	_ =	sdelay $0x1  }
0xa9: {  	v2 =	vadd.s32 v1, v2;
	_ =	sdelay $0x4  }
0xaa: {  	[tilespmem:s29], [sflag:$0x2] =	stream.indirect_vreg.gather [hbm4b:s1+s3], $0x80, v2, vm0, $0xb8;
	[tilespmem:$0x10100] =	vst v63  }
0xab: {  	s23 =	simm.s32 $0x4900  }
0xac: {  	[tilespmem:s23], [sflag:$0x2] =	stream.indirect_vreg.gather [hbm4b:s5+s3], $0x80, v2, vm0, $0xb8;
	[tilespmem:$0x10100] =	vst v63  }
0xad: {  	s23 =	simm.s32 $0x5100  }
0xae: {  	[tilespmem:s23], [sflag:$0x2] =	stream.indirect_vreg.gather [hbm4b:s6+s3], $0x80, v2, vm0, $0xb8;
	[tilespmem:$0x10100] =	vst v63  }
0xaf: {  	s23 =	simm.s32 $0x5900  }
0xb0: {  	[tilespmem:s23], [sflag:$0x2] =	stream.indirect_vreg.gather [hbm4b:s7+s3], $0x80, v2, vm0, $0xb8;
	[tilespmem:$0x10100] =	vst v63  }
0xb1: {  	s23 =	simm.s32 $0x6100  }
0xb2: {  	[tilespmem:s23], [sflag:$0x2] =	stream.indirect_vreg.gather [hbm4b:s8+s3], $0x80, v2, vm0, $0xb8;
	[tilespmem:$0x10100] =	vst v63  }
0xb3: {  	s23 =	simm.s32 $0x6900  }
0xb4: {  	[tilespmem:s23], [sflag:$0x2] =	stream.indirect_vreg.gather [hbm4b:s9+s3], $0x80, v2, vm0, $0xb8;
	[tilespmem:$0x10100] =	vst v63  }
0xb5: {  	s23 =	simm.s32 $0x7100  }
0xb6: {  	[tilespmem:s23], [sflag:$0x2] =	stream.indirect_vreg.gather [hbm4b:s10+s3], $0x80, v2, vm0, $0xb8;
	[tilespmem:$0x10100] =	vst v63  }
0xb7: {  	s23 =	simm.s32 $0x7900  }
0xb8: {  	[tilespmem:s23], [sflag:$0x2] =	stream.indirect_vreg.gather [hbm4b:s11+s3], $0x80, v2, vm0, $0xb8;
	[tilespmem:$0x10100] =	vst v63  }
0xb9: {  	_ =	swait.ge [sflag:s13], $0x4000  }
0xba: {  	s23 =	rddreg [dreg:$0x5];
	[sflag:s13] =	ssyncset.done $0x0  }
0xbb: {  	[sflag:s13] =	ssyncadd.s32 $0xFFFFC000;
	s23 =	sadd.s32 s22, s23  }
0xbc: {  	[hbm4b:s23+s3] =	stream.linear.scatter [tilespmem:s20], [sflag:$0x5], $0x4000, $0x38;
	[tilespmem:$0x10100] =	vst v63  }
0xbd: {  	_ =	swait.ge [sflag:s12], $0x4000  }
0xbe: {  	[sflag:s12] =	ssyncset.done $0x0  }
0xbf: {  	[sflag:s12] =	ssyncadd.s32 $0xFFFFC000  }
0xc0: {  	v2 =	vld.msk [tilespmem:s21+$0xFFFFFFF8], $0xff;
	_ =	sdelay $0x4  }
0xc1: {  	v3 =	vshll.u32 v2, $0x4  }
0xc2: {  	v2 =	vand.u32 $0x7, v2;
	v3 =	vand.u32 $0xFFFFFF80, v3  }
0xc3: {  	v2 =	vor.u32 v2, v3  }
0xc4: {  	v2 =	vperm.xlane v2, v0;
	_ =	sdelay $0x1  }
0xc5: {  	v2 =	vadd.s32 v1, v2;
	_ =	sdelay $0x4  }
0xc6: {  	[tilespmem:s14], [sflag:$0x3] =	stream.indirect_vreg.gather [hbm4b:s1+s3], $0x80, v2, vm0, $0xb8;
	[tilespmem:$0x10100] =	vst v63  }
0xc7: {  	s23 =	simm.s32 $0x8900  }
0xc8: {  	[tilespmem:s23], [sflag:$0x3] =	stream.indirect_vreg.gather [hbm4b:s5+s3], $0x80, v2, vm0, $0xb8;
	[tilespmem:$0x10100] =	vst v63  }
0xc9: {  	s23 =	simm.s32 $0x9100  }
0xca: {  	[tilespmem:s23], [sflag:$0x3] =	stream.indirect_vreg.gather [hbm4b:s6+s3], $0x80, v2, vm0, $0xb8;
	[tilespmem:$0x10100] =	vst v63  }
0xcb: {  	s23 =	simm.s32 $0x9900  }
0xcc: {  	[tilespmem:s23], [sflag:$0x3] =	stream.indirect_vreg.gather [hbm4b:s7+s3], $0x80, v2, vm0, $0xb8;
	[tilespmem:$0x10100] =	vst v63  }
0xcd: {  	s23 =	simm.s32 $0xA100  }
0xce: {  	[tilespmem:s23], [sflag:$0x3] =	stream.indirect_vreg.gather [hbm4b:s8+s3], $0x80, v2, vm0, $0xb8;
	[tilespmem:$0x10100] =	vst v63  }
0xcf: {  	s23 =	simm.s32 $0xA900  }
0xd0: {  	[tilespmem:s23], [sflag:$0x3] =	stream.indirect_vreg.gather [hbm4b:s9+s3], $0x80, v2, vm0, $0xb8;
	[tilespmem:$0x10100] =	vst v63  }
0xd1: {  	s23 =	simm.s32 $0xB100  }
0xd2: {  	[tilespmem:s23], [sflag:$0x3] =	stream.indirect_vreg.gather [hbm4b:s10+s3], $0x80, v2, vm0, $0xb8;
	[tilespmem:$0x10100] =	vst v63  }
0xd3: {  	s23 =	simm.s32 $0xB900  }
0xd4: {  	[tilespmem:s23], [sflag:$0x3] =	stream.indirect_vreg.gather [hbm4b:s11+s3], $0x80, v2, vm0, $0xb8;
	[tilespmem:$0x10100] =	vst v63  }
0xd5: {  	_ =	swait.ge [sflag:s24], $0x4000  }
0xd6: {  	s23 =	rddreg [dreg:$0x6];
	[sflag:s24] =	ssyncset.done $0x0  }
0xd7: {  	[sflag:s24] =	ssyncadd.s32 $0xFFFFC000;
	s23 =	sadd.s32 s22, s23  }
0xd8: {  	[hbm4b:s23+s3] =	stream.linear.scatter [tilespmem:s29], [sflag:$0x6], $0x4000, $0x38;
	[tilespmem:$0x10100] =	vst v63  }
0xd9: {  	_ =	swait.ge [sflag:s19], $0x4000  }
0xda: {  	[sflag:s19] =	ssyncset.done $0x0  }
0xdb: {  	[sflag:s19] =	ssyncadd.s32 $0xFFFFC000  }
0xdc: {  	v2 =	vld.msk [tilespmem:s21+$0x0], $0xff;
	_ =	sdelay $0x4  }
0xdd: {  	v3 =	vshll.u32 v2, $0x4  }
0xde: {  	v2 =	vand.u32 $0x7, v2;
	v3 =	vand.u32 $0xFFFFFF80, v3  }
0xdf: {  	v2 =	vor.u32 v2, v3  }
0xe0: {  	v2 =	vperm.xlane v2, v0;
	_ =	sdelay $0x1  }
0xe1: {  	v2 =	vadd.s32 v1, v2;
	_ =	sdelay $0x4  }
0xe2: {  	[tilespmem:s25], [sflag:$0x4] =	stream.indirect_vreg.gather [hbm4b:s1+s3], $0x80, v2, vm0, $0xb8;
	[tilespmem:$0x10100] =	vst v63  }
0xe3: {  	_ = 	snop  }
0xe4: {  	[tilespmem:s26], [sflag:$0x4] =	stream.indirect_vreg.gather [hbm4b:s5+s3], $0x80, v2, vm0, $0xb8;
	[tilespmem:$0x10100] =	vst v63  }
0xe5: {  	_ = 	snop  }
0xe6: {  	[tilespmem:s28], [sflag:$0x4] =	stream.indirect_vreg.gather [hbm4b:s6+s3], $0x80, v2, vm0, $0xb8;
	[tilespmem:$0x10100] =	vst v63  }
0xe7: {  	_ = 	snop  }
0xe8: {  	[tilespmem:s30], [sflag:$0x4] =	stream.indirect_vreg.gather [hbm4b:s7+s3], $0x80, v2, vm0, $0xb8;
	[tilespmem:$0x10100] =	vst v63  }
0xe9: {  	_ = 	snop  }
0xea: {  	[tilespmem:s31], [sflag:$0x4] =	stream.indirect_vreg.gather [hbm4b:s8+s3], $0x80, v2, vm0, $0xb8;
	[tilespmem:$0x10100] =	vst v63  }
0xeb: {  	p0 =	sne.s32 s22, $0xC000  }
0xec: {  	[tilespmem:s0], [sflag:$0x4] =	stream.indirect_vreg.gather [hbm4b:s9+s3], $0x80, v2, vm0, $0xb8;
	[tilespmem:$0x10100] =	vst v63  }
.Ltmp0:
0xed: {  	_ = 	snop;
	(pc) =	sbr.rel @p0 .LBB2_2-.Ltmp0, $4  }
0xee: {  	_ = 	snop  }
0xef: {  	[tilespmem:s2], [sflag:$0x4] =	stream.indirect_vreg.gather [hbm4b:s10+s3], $0x80, v2, vm0, $0xb8;
	[tilespmem:$0x10100] =	vst v63  }
0xf0: {  	s22 =	sadd.s32 $0x2000, s22;
	s21 =	sadd.s32 $0x20, s21  }
0xf1: {  	[tilespmem:s17], [sflag:$0x4] =	stream.indirect_vreg.gather [hbm4b:s11+s3], $0x80, v2, vm0, $0xb8;
	[tilespmem:$0x10100] =	vst v63  }
0xf2: {  	_ =	swait.ge [sflag:s18], $0x4000  }
0xf3: {  	[sflag:s18] =	ssyncset.done $0x0  }
0xf4: {  	s21 =	rddreg [dreg:$0xb];
	[sflag:s18] =	ssyncadd.s32 $0xFFFFC000  }
0xf5: {  	[hbm4b:s21+s3] =	stream.linear.scatter [tilespmem:s14], [sflag:$0x7], $0x4000, $0x38;
	[tilespmem:$0x10100] =	vst v63  }
0xf6: {  	_ =	swait.ge [sflag:s4], $0x4000  }
0xf7: {  	[sflag:s4] =	ssyncset.done $0x0  }
0xf8: {  	[sflag:s4] =	ssyncadd.s32 $0xFFFFC000  }
0xf9: {  	_ =	swait.ge [sflag:s15], $0x4000  }
0xfa: {  	[sflag:s15] =	ssyncset.done $0x0  }
0xfb: {  	s22 =	rddreg [dreg:$0xc];
	[sflag:s15] =	ssyncadd.s32 $0xFFFFC000  }
0xfc: {  	[hbm4b:s22+s3] =	stream.linear.scatter [tilespmem:s25], [sflag:$0x8], $0x4000, $0x38;
	[tilespmem:$0x10100] =	vst v63  }
0xfd: {  	_ =	swait.ge [sflag:s16], $0x4000  }
0xfe: {  	[sflag:s16] =	ssyncset.done $0x0  }
0xff: {  	[sflag:s16] =	ssyncadd.s32 $0xFFFFC000  }
0x100: {  	_ =	swait.ge [sflag:s12], $0x4000  }
0x101: {  	[sflag:s12] =	ssyncset.done $0x0  }
0x102: {  	[sflag:s12] =	ssyncadd.s32 $0xFFFFC000  }
0x103: {  	_ =	swait.ge [sflag:s19], $0x4000  }
0x104: {  	s0 =	rddreg [dreg:$0xe]  }
0x105: {  	s23 =	rddreg [dreg:$0xd];
	s0 =	sadd.s32 $0x1, s0  }
0x106: {  	p0 =	sne.s32 s0, s23  }
.Ltmp1:
0x107: {  	_ = 	snop;
	(pc) =	sbr.rel @p0 .LBB2_1-.Ltmp1, $3  }
0x108: {  	_ =	sdelay $0x1  }
0x109: {  	[sflag:s19] =	ssyncset.done $0x0  }
0x10a: {  	[sflag:s19] =	ssyncadd.s32 $0xFFFFC000  }
0x10b: {  	_ =	sfence.sel $0x180000  }
0x10c: {  	[bflag:$0x0] =	sbarrier.arrive $0xFFFF  }
0x10d: {  	_ =	strace $0x90000047  }
0x10e: {  	s0 =	stileid.u32;
	[bflag:$0x2] =	sbarrier.arrive $0xFFFF  }
0x10f: {  	p0 =	sne.s32 s0, $0x0;
	s0 =	rddreg [dreg:$0x3]  }
0x110: {  	s0 =	sadd.s32 @!p0 $0x100000, s0  }
0x111: {  	[sflag:s0] =	ssyncadd.tile.s32 @!p0 $0x1;
	_ =	shalt  }
.Lfunc_end2:
_tile_overlayer_lowered:
.L_overlay_start_2:
0x112: {  	(tag) =	ssettag $0x2  }
0x113: {  	s0 =	rddreg [dreg:$0x0];
	s2 =	stileid.u32  }
0x114: {  	s1 =	rddreg [dreg:$0x1];
	p0 =	sne.s32 s2, $0x0  }
0x115: {  	s3 =	rddreg [dreg:$0x2];
	[bflag:$0x3] =	sbarrier.arrive $0xFFFF;
	s2 =	simm.s32 @!p0 $0x1C09  }
0x116: {  	[timem:s3], [sflag:s2] =	dma.local @!p0 [hbm:s0], s1  }
0x117: {  	s0 =	simm.s32 @!p0 $0x9  }
0x118: {  	_ =	swait.ge @!p0 [sflag:s0], s1  }
0x119: {  	s1 =	ssub.s32 @!p0 $0x0, s1;
	[sflag:s0] =	ssyncset.done @!p0 $0x0  }
0x11a: {  	[sflag:s0] =	ssyncadd.s32 @!p0 s1  }
0x11b: {  	[bflag:$0x3] =	sbarrier.arrive $0xFFFF  }
0x11c: {  	_ =	shalt  }

</sc_bundles>
